<compile_context>
chip_gen: v7x
topology: tpu7x:2x2x1
jax: 0.10.2.dev20260603
libtpu: 0.0.44.dev20260713+nightly
codegen_flags: <defaults>
</compile_context>

<pallas_src>
import jax
import jax.numpy as jnp
from jax.experimental import pallas as pl
from jax.experimental.pallas import tpu as pltpu

N = 10000
E = 320000
DIM = 128
G = 64
K = 30

NPAD = 10240
B = 2560
NEB = E // B
NC = 1024
NCH = NPAD // NC


def _deg_kernel(dst_ref, dinv_ref):
    eb = pl.program_id(0)

    @pl.when(eb == 0)
    def _():
        dinv_ref[...] = jnp.ones_like(dinv_ref)

    d = dst_ref[0]
    for nc in range(NCH):
        iota = jax.lax.broadcasted_iota(jnp.int32, (NC, B), 0) + nc * NC
        onehot = (d == iota).astype(jnp.float32)
        dinv_ref[nc * NC:(nc + 1) * NC, :] += jnp.sum(onehot, axis=1,
                                                      keepdims=True)

    @pl.when(eb == NEB - 1)
    def _():
        dinv_ref[...] = jax.lax.rsqrt(dinv_ref[...])


def _gcn_kernel(src_ref, dst_ref, h_ref, w_ref, b_ref, dinv_ref, out_ref,
                y_ref):
    eb = pl.program_id(0)

    @pl.when(eb == 0)
    def _():
        xw = jnp.dot(h_ref[...], w_ref[...],
                     preferred_element_type=jnp.float32)
        y_ref[...] = (dinv_ref[...] * xw).astype(jnp.bfloat16)
        out_ref[...] = jnp.zeros_like(out_ref)

    s = src_ref[0]
    d = dst_ref[0]

    iota = jax.lax.broadcasted_iota(jnp.int32, (NC, B), 0)
    g = jnp.zeros((B, 32), jnp.float32)
    for nc in range(NCH):
        oh_s = ((s - nc * NC) == iota).astype(jnp.bfloat16)
        g = g + jax.lax.dot_general(
            oh_s, y_ref[nc * NC:(nc + 1) * NC, :], (((0,), (0,)), ((), ())),
            preferred_element_type=jnp.float32)
    g = g.astype(jnp.bfloat16)

    for nc in range(NCH):
        oh_d = ((d - nc * NC) == iota).astype(jnp.bfloat16)
        out_ref[nc * NC:(nc + 1) * NC, :] += jnp.dot(
            oh_d, g, preferred_element_type=jnp.float32)

    @pl.when(eb == NEB - 1)
    def _():
        out_ref[...] = jnp.tanh(
            dinv_ref[...] * (out_ref[...] + y_ref[...].astype(jnp.float32))
            + b_ref[...])


def _gcn_layer(src3, dst3, h, w, b, dinv):
    cin = h.shape[1]
    return pl.pallas_call(
        _gcn_kernel,
        grid=(NEB,),
        in_specs=[
            pl.BlockSpec((1, 1, B), lambda eb: (eb, 0, 0)),
            pl.BlockSpec((1, 1, B), lambda eb: (eb, 0, 0)),
            pl.BlockSpec((NPAD, cin), lambda eb: (0, 0)),
            pl.BlockSpec((cin, 32), lambda eb: (0, 0)),
            pl.BlockSpec((1, 32), lambda eb: (0, 0)),
            pl.BlockSpec((NPAD, 1), lambda eb: (0, 0)),
        ],
        out_specs=pl.BlockSpec((NPAD, 32), lambda eb: (0, 0)),
        out_shape=jax.ShapeDtypeStruct((NPAD, 32), jnp.float32),
        scratch_shapes=[pltpu.VMEM((NPAD, 32), jnp.bfloat16)],
    )(src3, dst3, h, w, b, dinv)


def kernel(x, edge_index, batch, w1, b1, w2, b2, w3, b3, w4, b4, c1w, c1b,
           c2w, c2b, l1w, l1b, l2w, l2b):
    src3 = edge_index[0].reshape(NEB, 1, B)
    dst3 = edge_index[1].reshape(NEB, 1, B)

    dinv = pl.pallas_call(
        _deg_kernel,
        grid=(NEB,),
        in_specs=[pl.BlockSpec((1, 1, B), lambda eb: (eb, 0, 0))],
        out_specs=pl.BlockSpec((NPAD, 1), lambda eb: (0, 0)),
        out_shape=jax.ShapeDtypeStruct((NPAD, 1), jnp.float32),
    )(dst3)

    h0 = jnp.zeros((NPAD, DIM), jnp.float32).at[:N].set(x)
    w4p = jnp.zeros((32, 32), jnp.float32).at[:, :1].set(w4)
    b4p = jnp.zeros((32,), jnp.float32).at[:1].set(b4)

    h1 = _gcn_layer(src3, dst3, h0, w1, b1.reshape(1, 32), dinv)
    h2 = _gcn_layer(src3, dst3, h1, w2, b2.reshape(1, 32), dinv)
    h3 = _gcn_layer(src3, dst3, h2, w3, b3.reshape(1, 32), dinv)
    h4 = _gcn_layer(src3, dst3, h3, w4p, b4p.reshape(1, 32), dinv)

    h = jnp.concatenate([h1[:N], h2[:N], h3[:N], h4[:N, :1]], axis=-1)

    last = h[:, -1]
    order = jnp.lexsort((-last, batch))
    h_s = h[order]
    counts = jnp.bincount(batch, length=G)
    starts = jnp.cumsum(counts) - counts
    pos = starts[:, None] + jnp.arange(K)[None, :]
    mask = (jnp.arange(K)[None, :] < counts[:, None]).astype(h.dtype)
    gathered = h_s[jnp.clip(pos, 0, h.shape[0] - 1)] * mask[:, :, None]
    hp = gathered.reshape(G, K * h.shape[1])

    hp = hp[:, None, :]
    dn = ('NCH', 'OIH', 'NCH')
    hp = jax.lax.conv_general_dilated(hp, c1w, (97,), 'VALID',
                                      dimension_numbers=dn)
    hp = jax.nn.relu(hp + c1b[None, :, None])
    hp = jax.lax.reduce_window(hp, -jnp.inf, jax.lax.max, (1, 1, 2),
                               (1, 1, 2), 'VALID')
    hp = jax.lax.conv_general_dilated(hp, c2w, (1,), 'VALID',
                                      dimension_numbers=dn)
    hp = jax.nn.relu(hp + c2b[None, :, None])
    hp = hp.reshape(hp.shape[0], -1)
    hp = jax.nn.relu(hp @ l1w.T + l1b)
    return jax.nn.sigmoid(hp @ l2w.T + l2b)

# --- scband reference (transcript-rebuilt; emitter-appended) ---
"""Pipeline reference for scband-dgcnn-83030307766890 (READ-ONLY COPY).

The authoritative reference and input builder live on the scoring server;
editing this copy changes nothing except your own understanding.
"""

import jax, jax.numpy as jnp
import numpy as np

N = 10000
E = 320000
DIM = 128
G = 64
K = 30


def _init(key, shape, scale=0.05):
    return jax.random.normal(key, shape, dtype=jnp.float32) * scale


def setup_inputs(seed: int = 0):
    key = jax.random.key(seed)
    ks = jax.random.split(key, 16)
    inp = {}
    inp['x'] = jax.random.normal(ks[0], (N, DIM), dtype=jnp.float32)
    inp['edge_index'] = jax.random.randint(ks[1], (2, E), 0, N, dtype=jnp.int32)
    inp['batch'] = jnp.sort(jax.random.randint(ks[2], (N,), 0, G, dtype=jnp.int32))
    inp['w1'] = _init(ks[3], (DIM, 32)); inp['b1'] = jnp.zeros((32,), jnp.float32)
    inp['w2'] = _init(ks[4], (32, 32)); inp['b2'] = jnp.zeros((32,), jnp.float32)
    inp['w3'] = _init(ks[5], (32, 32)); inp['b3'] = jnp.zeros((32,), jnp.float32)
    inp['w4'] = _init(ks[6], (32, 1)); inp['b4'] = jnp.zeros((1,), jnp.float32)
    inp['c1w'] = _init(ks[7], (16, 1, 97)); inp['c1b'] = jnp.zeros((16,), jnp.float32)
    inp['c2w'] = _init(ks[8], (32, 16, 5)); inp['c2b'] = jnp.zeros((32,), jnp.float32)
    inp['l1w'] = _init(ks[9], (128, 352)); inp['l1b'] = jnp.zeros((128,), jnp.float32)
    inp['l2w'] = _init(ks[10], (1, 128)); inp['l2b'] = jnp.zeros((1,), jnp.float32)
    return inp


def _gcn(x, w, b, src, dst, n):
    # GCNConv with added self-loops and symmetric normalization
    xw = x @ w
    loop = jnp.arange(n, dtype=src.dtype)
    s = jnp.concatenate([src, loop])
    d = jnp.concatenate([dst, loop])
    deg = jax.ops.segment_sum(jnp.ones(s.shape[0], dtype=xw.dtype), d, num_segments=n)
    dinv = jax.lax.rsqrt(deg)  # deg >= 1 due to self-loops
    norm = dinv[s] * dinv[d]
    out = jax.ops.segment_sum(norm[:, None] * xw[s], d, num_segments=n)
    return out + b


def _sort_pool(h, batch, n_graphs, k):
    # global_sort_pool: per-graph sort by last channel (descending), take top-k, zero-pad
    last = h[:, -1]
    order = jnp.lexsort((-last, batch))  # primary: batch asc, secondary: last desc
    h_s = h[order]
    counts = jnp.bincount(batch, length=n_graphs)
    starts = jnp.cumsum(counts) - counts
    pos = starts[:, None] + jnp.arange(k)[None, :]
    mask = (jnp.arange(k)[None, :] < counts[:, None]).astype(h.dtype)
    gathered = h_s[jnp.clip(pos, 0, h.shape[0] - 1)] * mask[:, :, None]
    return gathered.reshape(n_graphs, k * h.shape[1])


def _forward(x, edge_index, batch, w1, b1, w2, b2, w3, b3, w4, b4, c1w, c1b, c2w, c2b, l1w, l1b, l2w, l2b):
    src, dst = edge_index[0], edge_index[1]
    n = x.shape[0]
    h1 = jnp.tanh(_gcn(x, w1, b1, src, dst, n))
    h2 = jnp.tanh(_gcn(h1, w2, b2, src, dst, n))
    h3 = jnp.tanh(_gcn(h2, w3, b3, src, dst, n))
    h4 = jnp.tanh(_gcn(h3, w4, b4, src, dst, n))
    h = jnp.concatenate([h1, h2, h3, h4], axis=-1)  # [N, 97]
    h = _sort_pool(h, batch, G, K)                   # [G, K*97]
    h = h[:, None, :]                                # [G, 1, 2910]
    dn = ('NCH', 'OIH', 'NCH')
    h = jax.lax.conv_general_dilated(h, c1w, (97,), 'VALID', dimension_numbers=dn) + c1b[None, :, None]
    h = jax.nn.relu(h)                               # [G, 16, 30]
    h = jax.lax.reduce_window(h, -jnp.inf, jax.lax.max, (1, 1, 2), (1, 1, 2), 'VALID')  # [G,16,15]
    h = jax.lax.conv_general_dilated(h, c2w, (1,), 'VALID', dimension_numbers=dn) + c2b[None, :, None]
    h = jax.nn.relu(h)                               # [G, 32, 11]
    h = h.reshape(h.shape[0], -1)                    # [G, 352]
    h = jax.nn.relu(h @ l1w.T + l1b)
    # Dropout is identity in eval mode
    h = jax.nn.sigmoid(h @ l2w.T + l2b)
    return h


def reference(x, edge_index, batch, w1, b1, w2, b2, w3, b3, w4, b4, c1w, c1b, c2w, c2b, l1w, l1b, l2w, l2b):
    return _forward(x, edge_index, batch, w1, b1, w2, b2, w3, b3, w4, b4, c1w, c1b, c2w, c2b, l1w, l1b, l2w, l2b)

if __name__ == "__main__":
    import jax
    _d = setup_inputs()
    print(jax.jit(kernel)(*tuple(_d.values())))

</pallas_src>

<mosaic_0001>
module attributes {stable_mosaic.version = 14 : i64} {
  func.func @_gcn_kernel(%arg0: i32, %arg1: memref<1x1x2560xi32, #tpu.memory_space<vmem>>, %arg2: memref<1x1x2560xi32, #tpu.memory_space<vmem>>, %arg3: memref<10240x128xf32, #tpu.memory_space<vmem>>, %arg4: memref<128x32xf32, #tpu.memory_space<vmem>>, %arg5: memref<1x32xf32, #tpu.memory_space<vmem>>, %arg6: memref<10240x1xf32, #tpu.memory_space<vmem>>, %arg7: memref<10240x32xf32, #tpu.memory_space<vmem>>, %arg8: memref<10240x32xbf16, #tpu.memory_space<vmem>>) attributes {dimension_semantics = [#tpu.dimension_semantics<arbitrary>], iteration_bounds = array<i64: 125>, scalar_prefetch = 0 : i64, scratch_operands = 1 : i64, tpu.core_type = #tpu.core_type<tc>, window_params = [{transform_indices = @transform_0, window_bounds = array<i64: 1, 1, 2560>}, {transform_indices = @transform_1, window_bounds = array<i64: 1, 1, 2560>}, {pipeline_mode = #tpu.pipeline_mode<synchronous>, transform_indices = @transform_2, window_bounds = array<i64: 10240, 128>}, {pipeline_mode = #tpu.pipeline_mode<synchronous>, transform_indices = @transform_3, window_bounds = array<i64: 128, 32>}, {pipeline_mode = #tpu.pipeline_mode<synchronous>, transform_indices = @transform_4, window_bounds = array<i64: 1, 32>}, {pipeline_mode = #tpu.pipeline_mode<synchronous>, transform_indices = @transform_5, window_bounds = array<i64: 10240, 1>}, {pipeline_mode = #tpu.pipeline_mode<synchronous>, transform_indices = @transform_6, window_bounds = array<i64: 10240, 32>}]} {
    %eq3A = arith.constant 0 : i32
    %eq3A_0 = arith.cmpi eq, %arg0, %eq3A : i32
    %convert_element_type3A = arith.extui %eq3A_0 : i1 to i32
    %cond3A = arith.constant 0 : i32
    %cond3A_1 = arith.cmpi ne, %convert_element_type3A, %cond3A : i32
    scf.if %cond3A_1 {
      %get3A_324 = arith.constant 0 : index
      %get3A_325 = arith.constant 0 : index
      %get3A_326 = vector.load %arg3[%get3A_324, %get3A_325] : memref<10240x128xf32, #tpu.memory_space<vmem>>, vector<10240x128xf32>
      %get3A_327 = arith.constant 0 : index
      %get3A_328 = arith.constant 0 : index
      %get3A_329 = vector.load %arg4[%get3A_327, %get3A_328] : memref<128x32xf32, #tpu.memory_space<vmem>>, vector<128x32xf32>
      %dot_general3A_330 = arith.constant dense<0.000000e+00> : vector<10240x32xf32>
      %dot_general3A_331 = tpu.matmul %get3A_326, %get3A_329, %dot_general3A_330 {dimension_numbers = #tpu.dot_dimension_numbers<[1], [0], [0], [1], [0, 0, 1, 1], [], []>, transpose_lhs_hint = false} : vector<10240x128xf32>, vector<128x32xf32>, vector<10240x32xf32> -> vector<10240x32xf32>
      %get3A_332 = arith.constant 0 : index
      %get3A_333 = arith.constant 0 : index
      %get3A_334 = vector.load %arg6[%get3A_332, %get3A_333] : memref<10240x1xf32, #tpu.memory_space<vmem>>, vector<10240x1xf32>
      %mul3A = vector.broadcast %get3A_334 : vector<10240x1xf32> to vector<10240x32xf32>
      %mul3A_335 = arith.mulf %mul3A, %dot_general3A_331 : vector<10240x32xf32>
      %convert_element_type3A_336 = arith.truncf %mul3A_335 : vector<10240x32xf32> to vector<10240x32xbf16>
      %swap3A_337 = arith.constant 0 : index
      %swap3A_338 = arith.constant 0 : index
      %swap3A_339 = vector.load %arg8[%swap3A_337, %swap3A_338] : memref<10240x32xbf16, #tpu.memory_space<vmem>>, vector<10240x32xbf16>
      tpu.vector_store %arg8[%swap3A_337, %swap3A_338], %convert_element_type3A_336 {strides = array<i32>} : memref<10240x32xbf16, #tpu.memory_space<vmem>>, vector<10240x32xbf16>,
      %broadcast_in_dim3A_340 = arith.constant 0.000000e+00 : f32
      %broadcast_in_dim3A_341 = vector.broadcast %broadcast_in_dim3A_340 : f32 to vector<10240x32xf32>
      %swap3A_342 = arith.constant 0 : index
      %swap3A_343 = arith.constant 0 : index
      %swap3A_344 = vector.load %arg7[%swap3A_342, %swap3A_343] : memref<10240x32xf32, #tpu.memory_space<vmem>>, vector<10240x32xf32>
      tpu.vector_store %arg7[%swap3A_342, %swap3A_343], %broadcast_in_dim3A_341 {strides = array<i32>} : memref<10240x32xf32, #tpu.memory_space<vmem>>, vector<10240x32xf32>,
    } else {
    }
    %get3A = arith.constant 0 : index
    %get3A_2 = arith.constant 0 : index
    %get3A_3 = arith.constant 0 : index
    %get3A_4 = vector.load %arg1[%get3A, %get3A_2, %get3A_3] : memref<1x1x2560xi32, #tpu.memory_space<vmem>>, vector<1x1x2560xi32>
    %get3A_5 = vector.shape_cast %get3A_4 : vector<1x1x2560xi32> to vector<1x2560xi32>
    %get3A_6 = arith.constant 0 : index
    %get3A_7 = arith.constant 0 : index
    %get3A_8 = arith.constant 0 : index
    %get3A_9 = vector.load %arg2[%get3A_6, %get3A_7, %get3A_8] : memref<1x1x2560xi32, #tpu.memory_space<vmem>>, vector<1x1x2560xi32>
    %get3A_10 = vector.shape_cast %get3A_9 : vector<1x1x2560xi32> to vector<1x2560xi32>
    %iota3A = tpu.iota {dimensions = array<i32: 0>} : vector<1024x2560xi32>
    %broadcast_in_dim3A = arith.constant 0.000000e+00 : f32
    %broadcast_in_dim3A_11 = vector.broadcast %broadcast_in_dim3A : f32 to vector<2560x32xf32>
    %sub3A = arith.constant 0 : i32
    %sub3A_12 = vector.broadcast %sub3A : i32 to vector<1x2560xi32>
    %sub3A_13 = arith.subi %get3A_5, %sub3A_12 : vector<1x2560xi32>
    %eq3A_14 = vector.broadcast %sub3A_13 : vector<1x2560xi32> to vector<1024x2560xi32>
    %eq3A_15 = arith.cmpi eq, %eq3A_14, %iota3A : vector<1024x2560xi32>
    %convert_element_type3A_16 = arith.extui %eq3A_15 : vector<1024x2560xi1> to vector<1024x2560xi32>
    %convert_element_type3A_17 = arith.sitofp %convert_element_type3A_16 : vector<1024x2560xi32> to vector<1024x2560xf32>
    %convert_element_type3A_18 = arith.truncf %convert_element_type3A_17 : vector<1024x2560xf32> to vector<1024x2560xbf16>
    %get3A_19 = arith.constant 0 : index
    %get3A_20 = arith.constant 0 : index
    %get3A_21 = vector.load %arg8[%get3A_19, %get3A_20] : memref<10240x32xbf16, #tpu.memory_space<vmem>>, vector<1024x32xbf16>
    %dot_general3A = arith.constant dense<0.000000e+00> : vector<2560x32xf32>
    %dot_general3A_22 = tpu.matmul %convert_element_type3A_18, %get3A_21, %dot_general3A {dimension_numbers = #tpu.dot_dimension_numbers<[0], [0], [1], [1], [0, 1, 1, 1], [], []>, transpose_lhs_hint = false} : vector<1024x2560xbf16>, vector<1024x32xbf16>, vector<2560x32xf32> -> vector<2560x32xf32>
    %add3A = arith.addf %broadcast_in_dim3A_11, %dot_general3A_22 : vector<2560x32xf32>
    %sub3A_23 = arith.constant 1024 : i32
    %sub3A_24 = vector.broadcast %sub3A_23 : i32 to vector<1x2560xi32>
    %sub3A_25 = arith.subi %get3A_5, %sub3A_24 : vector<1x2560xi32>
    %eq3A_26 = vector.broadcast %sub3A_25 : vector<1x2560xi32> to vector<1024x2560xi32>
    %eq3A_27 = arith.cmpi eq, %eq3A_26, %iota3A : vector<1024x2560xi32>
    %convert_element_type3A_28 = arith.extui %eq3A_27 : vector<1024x2560xi1> to vector<1024x2560xi32>
    %convert_element_type3A_29 = arith.sitofp %convert_element_type3A_28 : vector<1024x2560xi32> to vector<1024x2560xf32>
    %convert_element_type3A_30 = arith.truncf %convert_element_type3A_29 : vector<1024x2560xf32> to vector<1024x2560xbf16>
    %get3A_31 = arith.constant 1024 : index
    %get3A_32 = arith.constant 0 : index
    %get3A_33 = vector.load %arg8[%get3A_31, %get3A_32] : memref<10240x32xbf16, #tpu.memory_space<vmem>>, vector<1024x32xbf16>
    %dot_general3A_34 = arith.constant dense<0.000000e+00> : vector<2560x32xf32>
    %dot_general3A_35 = tpu.matmul %convert_element_type3A_30, %get3A_33, %dot_general3A_34 {dimension_numbers = #tpu.dot_dimension_numbers<[0], [0], [1], [1], [0, 1, 1, 1], [], []>, transpose_lhs_hint = false} : vector<1024x2560xbf16>, vector<1024x32xbf16>, vector<2560x32xf32> -> vector<2560x32xf32>
    %add3A_36 = arith.addf %add3A, %dot_general3A_35 : vector<2560x32xf32>
    %sub3A_37 = arith.constant 2048 : i32
    %sub3A_38 = vector.broadcast %sub3A_37 : i32 to vector<1x2560xi32>
    %sub3A_39 = arith.subi %get3A_5, %sub3A_38 : vector<1x2560xi32>
    %eq3A_40 = vector.broadcast %sub3A_39 : vector<1x2560xi32> to vector<1024x2560xi32>
    %eq3A_41 = arith.cmpi eq, %eq3A_40, %iota3A : vector<1024x2560xi32>
    %convert_element_type3A_42 = arith.extui %eq3A_41 : vector<1024x2560xi1> to vector<1024x2560xi32>
    %convert_element_type3A_43 = arith.sitofp %convert_element_type3A_42 : vector<1024x2560xi32> to vector<1024x2560xf32>
    %convert_element_type3A_44 = arith.truncf %convert_element_type3A_43 : vector<1024x2560xf32> to vector<1024x2560xbf16>
    %get3A_45 = arith.constant 2048 : index
    %get3A_46 = arith.constant 0 : index
    %get3A_47 = vector.load %arg8[%get3A_45, %get3A_46] : memref<10240x32xbf16, #tpu.memory_space<vmem>>, vector<1024x32xbf16>
    %dot_general3A_48 = arith.constant dense<0.000000e+00> : vector<2560x32xf32>
    %dot_general3A_49 = tpu.matmul %convert_element_type3A_44, %get3A_47, %dot_general3A_48 {dimension_numbers = #tpu.dot_dimension_numbers<[0], [0], [1], [1], [0, 1, 1, 1], [], []>, transpose_lhs_hint = false} : vector<1024x2560xbf16>, vector<1024x32xbf16>, vector<2560x32xf32> -> vector<2560x32xf32>
    %add3A_50 = arith.addf %add3A_36, %dot_general3A_49 : vector<2560x32xf32>
    %sub3A_51 = arith.constant 3072 : i32
    %sub3A_52 = vector.broadcast %sub3A_51 : i32 to vector<1x2560xi32>
    %sub3A_53 = arith.subi %get3A_5, %sub3A_52 : vector<1x2560xi32>
    %eq3A_54 = vector.broadcast %sub3A_53 : vector<1x2560xi32> to vector<1024x2560xi32>
    %eq3A_55 = arith.cmpi eq, %eq3A_54, %iota3A : vector<1024x2560xi32>
    %convert_element_type3A_56 = arith.extui %eq3A_55 : vector<1024x2560xi1> to vector<1024x2560xi32>
    %convert_element_type3A_57 = arith.sitofp %convert_element_type3A_56 : vector<1024x2560xi32> to vector<1024x2560xf32>
    %convert_element_type3A_58 = arith.truncf %convert_element_type3A_57 : vector<1024x2560xf32> to vector<1024x2560xbf16>
    %get3A_59 = arith.constant 3072 : index
    %get3A_60 = arith.constant 0 : index
    %get3A_61 = vector.load %arg8[%get3A_59, %get3A_60] : memref<10240x32xbf16, #tpu.memory_space<vmem>>, vector<1024x32xbf16>
    %dot_general3A_62 = arith.constant dense<0.000000e+00> : vector<2560x32xf32>
    %dot_general3A_63 = tpu.matmul %convert_element_type3A_58, %get3A_61, %dot_general3A_62 {dimension_numbers = #tpu.dot_dimension_numbers<[0], [0], [1], [1], [0, 1, 1, 1], [], []>, transpose_lhs_hint = false} : vector<1024x2560xbf16>, vector<1024x32xbf16>, vector<2560x32xf32> -> vector<2560x32xf32>
    %add3A_64 = arith.addf %add3A_50, %dot_general3A_63 : vector<2560x32xf32>
    %sub3A_65 = arith.constant 4096 : i32
    %sub3A_66 = vector.broadcast %sub3A_65 : i32 to vector<1x2560xi32>
    %sub3A_67 = arith.subi %get3A_5, %sub3A_66 : vector<1x2560xi32>
    %eq3A_68 = vector.broadcast %sub3A_67 : vector<1x2560xi32> to vector<1024x2560xi32>
    %eq3A_69 = arith.cmpi eq, %eq3A_68, %iota3A : vector<1024x2560xi32>
    %convert_element_type3A_70 = arith.extui %eq3A_69 : vector<1024x2560xi1> to vector<1024x2560xi32>
    %convert_element_type3A_71 = arith.sitofp %convert_element_type3A_70 : vector<1024x2560xi32> to vector<1024x2560xf32>
    %convert_element_type3A_72 = arith.truncf %convert_element_type3A_71 : vector<1024x2560xf32> to vector<1024x2560xbf16>
    %get3A_73 = arith.constant 4096 : index
    %get3A_74 = arith.constant 0 : index
    %get3A_75 = vector.load %arg8[%get3A_73, %get3A_74] : memref<10240x32xbf16, #tpu.memory_space<vmem>>, vector<1024x32xbf16>
    %dot_general3A_76 = arith.constant dense<0.000000e+00> : vector<2560x32xf32>
    %dot_general3A_77 = tpu.matmul %convert_element_type3A_72, %get3A_75, %dot_general3A_76 {dimension_numbers = #tpu.dot_dimension_numbers<[0], [0], [1], [1], [0, 1, 1, 1], [], []>, transpose_lhs_hint = false} : vector<1024x2560xbf16>, vector<1024x32xbf16>, vector<2560x32xf32> -> vector<2560x32xf32>
    %add3A_78 = arith.addf %add3A_64, %dot_general3A_77 : vector<2560x32xf32>
    %sub3A_79 = arith.constant 5120 : i32
    %sub3A_80 = vector.broadcast %sub3A_79 : i32 to vector<1x2560xi32>
    %sub3A_81 = arith.subi %get3A_5, %sub3A_80 : vector<1x2560xi32>
    %eq3A_82 = vector.broadcast %sub3A_81 : vector<1x2560xi32> to vector<1024x2560xi32>
    %eq3A_83 = arith.cmpi eq, %eq3A_82, %iota3A : vector<1024x2560xi32>
    %convert_element_type3A_84 = arith.extui %eq3A_83 : vector<1024x2560xi1> to vector<1024x2560xi32>
    %convert_element_type3A_85 = arith.sitofp %convert_element_type3A_84 : vector<1024x2560xi32> to vector<1024x2560xf32>
    %convert_element_type3A_86 = arith.truncf %convert_element_type3A_85 : vector<1024x2560xf32> to vector<1024x2560xbf16>
    %get3A_87 = arith.constant 5120 : index
    %get3A_88 = arith.constant 0 : index
    %get3A_89 = vector.load %arg8[%get3A_87, %get3A_88] : memref<10240x32xbf16, #tpu.memory_space<vmem>>, vector<1024x32xbf16>
    %dot_general3A_90 = arith.constant dense<0.000000e+00> : vector<2560x32xf32>
    %dot_general3A_91 = tpu.matmul %convert_element_type3A_86, %get3A_89, %dot_general3A_90 {dimension_numbers = #tpu.dot_dimension_numbers<[0], [0], [1], [1], [0, 1, 1, 1], [], []>, transpose_lhs_hint = false} : vector<1024x2560xbf16>, vector<1024x32xbf16>, vector<2560x32xf32> -> vector<2560x32xf32>
    %add3A_92 = arith.addf %add3A_78, %dot_general3A_91 : vector<2560x32xf32>
    %sub3A_93 = arith.constant 6144 : i32
    %sub3A_94 = vector.broadcast %sub3A_93 : i32 to vector<1x2560xi32>
    %sub3A_95 = arith.subi %get3A_5, %sub3A_94 : vector<1x2560xi32>
    %eq3A_96 = vector.broadcast %sub3A_95 : vector<1x2560xi32> to vector<1024x2560xi32>
    %eq3A_97 = arith.cmpi eq, %eq3A_96, %iota3A : vector<1024x2560xi32>
    %convert_element_type3A_98 = arith.extui %eq3A_97 : vector<1024x2560xi1> to vector<1024x2560xi32>
    %convert_element_type3A_99 = arith.sitofp %convert_element_type3A_98 : vector<1024x2560xi32> to vector<1024x2560xf32>
    %convert_element_type3A_100 = arith.truncf %convert_element_type3A_99 : vector<1024x2560xf32> to vector<1024x2560xbf16>
    %get3A_101 = arith.constant 6144 : index
    %get3A_102 = arith.constant 0 : index
    %get3A_103 = vector.load %arg8[%get3A_101, %get3A_102] : memref<10240x32xbf16, #tpu.memory_space<vmem>>, vector<1024x32xbf16>
    %dot_general3A_104 = arith.constant dense<0.000000e+00> : vector<2560x32xf32>
    %dot_general3A_105 = tpu.matmul %convert_element_type3A_100, %get3A_103, %dot_general3A_104 {dimension_numbers = #tpu.dot_dimension_numbers<[0], [0], [1], [1], [0, 1, 1, 1], [], []>, transpose_lhs_hint = false} : vector<1024x2560xbf16>, vector<1024x32xbf16>, vector<2560x32xf32> -> vector<2560x32xf32>
    %add3A_106 = arith.addf %add3A_92, %dot_general3A_105 : vector<2560x32xf32>
    %sub3A_107 = arith.constant 7168 : i32
    %sub3A_108 = vector.broadcast %sub3A_107 : i32 to vector<1x2560xi32>
    %sub3A_109 = arith.subi %get3A_5, %sub3A_108 : vector<1x2560xi32>
    %eq3A_110 = vector.broadcast %sub3A_109 : vector<1x2560xi32> to vector<1024x2560xi32>
    %eq3A_111 = arith.cmpi eq, %eq3A_110, %iota3A : vector<1024x2560xi32>
    %convert_element_type3A_112 = arith.extui %eq3A_111 : vector<1024x2560xi1> to vector<1024x2560xi32>
    %convert_element_type3A_113 = arith.sitofp %convert_element_type3A_112 : vector<1024x2560xi32> to vector<1024x2560xf32>
    %convert_element_type3A_114 = arith.truncf %convert_element_type3A_113 : vector<1024x2560xf32> to vector<1024x2560xbf16>
    %get3A_115 = arith.constant 7168 : index
    %get3A_116 = arith.constant 0 : index
    %get3A_117 = vector.load %arg8[%get3A_115, %get3A_116] : memref<10240x32xbf16, #tpu.memory_space<vmem>>, vector<1024x32xbf16>
    %dot_general3A_118 = arith.constant dense<0.000000e+00> : vector<2560x32xf32>
    %dot_general3A_119 = tpu.matmul %convert_element_type3A_114, %get3A_117, %dot_general3A_118 {dimension_numbers = #tpu.dot_dimension_numbers<[0], [0], [1], [1], [0, 1, 1, 1], [], []>, transpose_lhs_hint = false} : vector<1024x2560xbf16>, vector<1024x32xbf16>, vector<2560x32xf32> -> vector<2560x32xf32>
    %add3A_120 = arith.addf %add3A_106, %dot_general3A_119 : vector<2560x32xf32>
    %sub3A_121 = arith.constant 8192 : i32
    %sub3A_122 = vector.broadcast %sub3A_121 : i32 to vector<1x2560xi32>
    %sub3A_123 = arith.subi %get3A_5, %sub3A_122 : vector<1x2560xi32>
    %eq3A_124 = vector.broadcast %sub3A_123 : vector<1x2560xi32> to vector<1024x2560xi32>
    %eq3A_125 = arith.cmpi eq, %eq3A_124, %iota3A : vector<1024x2560xi32>
    %convert_element_type3A_126 = arith.extui %eq3A_125 : vector<1024x2560xi1> to vector<1024x2560xi32>
    %convert_element_type3A_127 = arith.sitofp %convert_element_type3A_126 : vector<1024x2560xi32> to vector<1024x2560xf32>
    %convert_element_type3A_128 = arith.truncf %convert_element_type3A_127 : vector<1024x2560xf32> to vector<1024x2560xbf16>
    %get3A_129 = arith.constant 8192 : index
    %get3A_130 = arith.constant 0 : index
    %get3A_131 = vector.load %arg8[%get3A_129, %get3A_130] : memref<10240x32xbf16, #tpu.memory_space<vmem>>, vector<1024x32xbf16>
    %dot_general3A_132 = arith.constant dense<0.000000e+00> : vector<2560x32xf32>
    %dot_general3A_133 = tpu.matmul %convert_element_type3A_128, %get3A_131, %dot_general3A_132 {dimension_numbers = #tpu.dot_dimension_numbers<[0], [0], [1], [1], [0, 1, 1, 1], [], []>, transpose_lhs_hint = false} : vector<1024x2560xbf16>, vector<1024x32xbf16>, vector<2560x32xf32> -> vector<2560x32xf32>
    %add3A_134 = arith.addf %add3A_120, %dot_general3A_133 : vector<2560x32xf32>
    %sub3A_135 = arith.constant 9216 : i32
    %sub3A_136 = vector.broadcast %sub3A_135 : i32 to vector<1x2560xi32>
    %sub3A_137 = arith.subi %get3A_5, %sub3A_136 : vector<1x2560xi32>
    %eq3A_138 = vector.broadcast %sub3A_137 : vector<1x2560xi32> to vector<1024x2560xi32>
    %eq3A_139 = arith.cmpi eq, %eq3A_138, %iota3A : vector<1024x2560xi32>
    %convert_element_type3A_140 = arith.extui %eq3A_139 : vector<1024x2560xi1> to vector<1024x2560xi32>
    %convert_element_type3A_141 = arith.sitofp %convert_element_type3A_140 : vector<1024x2560xi32> to vector<1024x2560xf32>
    %convert_element_type3A_142 = arith.truncf %convert_element_type3A_141 : vector<1024x2560xf32> to vector<1024x2560xbf16>
    %get3A_143 = arith.constant 9216 : index
    %get3A_144 = arith.constant 0 : index
    %get3A_145 = vector.load %arg8[%get3A_143, %get3A_144] : memref<10240x32xbf16, #tpu.memory_space<vmem>>, vector<1024x32xbf16>
    %dot_general3A_146 = arith.constant dense<0.000000e+00> : vector<2560x32xf32>
    %dot_general3A_147 = tpu.matmul %convert_element_type3A_142, %get3A_145, %dot_general3A_146 {dimension_numbers = #tpu.dot_dimension_numbers<[0], [0], [1], [1], [0, 1, 1, 1], [], []>, transpose_lhs_hint = false} : vector<1024x2560xbf16>, vector<1024x32xbf16>, vector<2560x32xf32> -> vector<2560x32xf32>
    %add3A_148 = arith.addf %add3A_134, %dot_general3A_147 : vector<2560x32xf32>
    %convert_element_type3A_149 = arith.truncf %add3A_148 : vector<2560x32xf32> to vector<2560x32xbf16>
    %sub3A_150 = arith.constant 0 : i32
    %sub3A_151 = vector.broadcast %sub3A_150 : i32 to vector<1x2560xi32>
    %sub3A_152 = arith.subi %get3A_10, %sub3A_151 : vector<1x2560xi32>
    %eq3A_153 = vector.broadcast %sub3A_152 : vector<1x2560xi32> to vector<1024x2560xi32>
    %eq3A_154 = arith.cmpi eq, %eq3A_153, %iota3A : vector<1024x2560xi32>
    %convert_element_type3A_155 = arith.extui %eq3A_154 : vector<1024x2560xi1> to vector<1024x2560xi32>
    %convert_element_type3A_156 = arith.sitofp %convert_element_type3A_155 : vector<1024x2560xi32> to vector<1024x2560xf32>
    %convert_element_type3A_157 = arith.truncf %convert_element_type3A_156 : vector<1024x2560xf32> to vector<1024x2560xbf16>
    %get3A_158 = arith.constant 0 : index
    %get3A_159 = arith.constant 0 : index
    %get3A_160 = vector.load %arg7[%get3A_158, %get3A_159] : memref<10240x32xf32, #tpu.memory_space<vmem>>, vector<1024x32xf32>
    %dot_general3A_161 = arith.constant dense<0.000000e+00> : vector<1024x32xf32>
    %dot_general3A_162 = tpu.matmul %convert_element_type3A_157, %convert_element_type3A_149, %dot_general3A_161 {dimension_numbers = #tpu.dot_dimension_numbers<[1], [0], [0], [1], [0, 0, 1, 1], [], []>, transpose_lhs_hint = false} : vector<1024x2560xbf16>, vector<2560x32xbf16>, vector<1024x32xf32> -> vector<1024x32xf32>
    %add3A_163 = arith.addf %get3A_160, %dot_general3A_162 : vector<1024x32xf32>
    %swap3A = arith.constant 0 : index
    %swap3A_164 = arith.constant 0 : index
    %swap3A_165 = vector.load %arg7[%swap3A, %swap3A_164] : memref<10240x32xf32, #tpu.memory_space<vmem>>, vector<1024x32xf32>
    tpu.vector_store %arg7[%swap3A, %swap3A_164], %add3A_163 {strides = array<i32>} : memref<10240x32xf32, #tpu.memory_space<vmem>>, vector<1024x32xf32>,
    %sub3A_166 = arith.constant 1024 : i32
    %sub3A_167 = vector.broadcast %sub3A_166 : i32 to vector<1x2560xi32>
    %sub3A_168 = arith.subi %get3A_10, %sub3A_167 : vector<1x2560xi32>
    %eq3A_169 = vector.broadcast %sub3A_168 : vector<1x2560xi32> to vector<1024x2560xi32>
    %eq3A_170 = arith.cmpi eq, %eq3A_169, %iota3A : vector<1024x2560xi32>
    %convert_element_type3A_171 = arith.extui %eq3A_170 : vector<1024x2560xi1> to vector<1024x2560xi32>
    %convert_element_type3A_172 = arith.sitofp %convert_element_type3A_171 : vector<1024x2560xi32> to vector<1024x2560xf32>
    %convert_element_type3A_173 = arith.truncf %convert_element_type3A_172 : vector<1024x2560xf32> to vector<1024x2560xbf16>
    %get3A_174 = arith.constant 1024 : index
    %get3A_175 = arith.constant 0 : index
    %get3A_176 = vector.load %arg7[%get3A_174, %get3A_175] : memref<10240x32xf32, #tpu.memory_space<vmem>>, vector<1024x32xf32>
    %dot_general3A_177 = arith.constant dense<0.000000e+00> : vector<1024x32xf32>
    %dot_general3A_178 = tpu.matmul %convert_element_type3A_173, %convert_element_type3A_149, %dot_general3A_177 {dimension_numbers = #tpu.dot_dimension_numbers<[1], [0], [0], [1], [0, 0, 1, 1], [], []>, transpose_lhs_hint = false} : vector<1024x2560xbf16>, vector<2560x32xbf16>, vector<1024x32xf32> -> vector<1024x32xf32>
    %add3A_179 = arith.addf %get3A_176, %dot_general3A_178 : vector<1024x32xf32>
    %swap3A_180 = arith.constant 1024 : index
    %swap3A_181 = arith.constant 0 : index
    %swap3A_182 = vector.load %arg7[%swap3A_180, %swap3A_181] : memref<10240x32xf32, #tpu.memory_space<vmem>>, vector<1024x32xf32>
    tpu.vector_store %arg7[%swap3A_180, %swap3A_181], %add3A_179 {strides = array<i32>} : memref<10240x32xf32, #tpu.memory_space<vmem>>, vector<1024x32xf32>,
    %sub3A_183 = arith.constant 2048 : i32
    %sub3A_184 = vector.broadcast %sub3A_183 : i32 to vector<1x2560xi32>
    %sub3A_185 = arith.subi %get3A_10, %sub3A_184 : vector<1x2560xi32>
    %eq3A_186 = vector.broadcast %sub3A_185 : vector<1x2560xi32> to vector<1024x2560xi32>
    %eq3A_187 = arith.cmpi eq, %eq3A_186, %iota3A : vector<1024x2560xi32>
    %convert_element_type3A_188 = arith.extui %eq3A_187 : vector<1024x2560xi1> to vector<1024x2560xi32>
    %convert_element_type3A_189 = arith.sitofp %convert_element_type3A_188 : vector<1024x2560xi32> to vector<1024x2560xf32>
    %convert_element_type3A_190 = arith.truncf %convert_element_type3A_189 : vector<1024x2560xf32> to vector<1024x2560xbf16>
    %get3A_191 = arith.constant 2048 : index
    %get3A_192 = arith.constant 0 : index
    %get3A_193 = vector.load %arg7[%get3A_191, %get3A_192] : memref<10240x32xf32, #tpu.memory_space<vmem>>, vector<1024x32xf32>
    %dot_general3A_194 = arith.constant dense<0.000000e+00> : vector<1024x32xf32>
    %dot_general3A_195 = tpu.matmul %convert_element_type3A_190, %convert_element_type3A_149, %dot_general3A_194 {dimension_numbers = #tpu.dot_dimension_numbers<[1], [0], [0], [1], [0, 0, 1, 1], [], []>, transpose_lhs_hint = false} : vector<1024x2560xbf16>, vector<2560x32xbf16>, vector<1024x32xf32> -> vector<1024x32xf32>
    %add3A_196 = arith.addf %get3A_193, %dot_general3A_195 : vector<1024x32xf32>
    %swap3A_197 = arith.constant 2048 : index
    %swap3A_198 = arith.constant 0 : index
    %swap3A_199 = vector.load %arg7[%swap3A_197, %swap3A_198] : memref<10240x32xf32, #tpu.memory_space<vmem>>, vector<1024x32xf32>
    tpu.vector_store %arg7[%swap3A_197, %swap3A_198], %add3A_196 {strides = array<i32>} : memref<10240x32xf32, #tpu.memory_space<vmem>>, vector<1024x32xf32>,
    %sub3A_200 = arith.constant 3072 : i32
    %sub3A_201 = vector.broadcast %sub3A_200 : i32 to vector<1x2560xi32>
    %sub3A_202 = arith.subi %get3A_10, %sub3A_201 : vector<1x2560xi32>
    %eq3A_203 = vector.broadcast %sub3A_202 : vector<1x2560xi32> to vector<1024x2560xi32>
    %eq3A_204 = arith.cmpi eq, %eq3A_203, %iota3A : vector<1024x2560xi32>
    %convert_element_type3A_205 = arith.extui %eq3A_204 : vector<1024x2560xi1> to vector<1024x2560xi32>
    %convert_element_type3A_206 = arith.sitofp %convert_element_type3A_205 : vector<1024x2560xi32> to vector<1024x2560xf32>
    %convert_element_type3A_207 = arith.truncf %convert_element_type3A_206 : vector<1024x2560xf32> to vector<1024x2560xbf16>
    %get3A_208 = arith.constant 3072 : index
    %get3A_209 = arith.constant 0 : index
    %get3A_210 = vector.load %arg7[%get3A_208, %get3A_209] : memref<10240x32xf32, #tpu.memory_space<vmem>>, vector<1024x32xf32>
    %dot_general3A_211 = arith.constant dense<0.000000e+00> : vector<1024x32xf32>
    %dot_general3A_212 = tpu.matmul %convert_element_type3A_207, %convert_element_type3A_149, %dot_general3A_211 {dimension_numbers = #tpu.dot_dimension_numbers<[1], [0], [0], [1], [0, 0, 1, 1], [], []>, transpose_lhs_hint = false} : vector<1024x2560xbf16>, vector<2560x32xbf16>, vector<1024x32xf32> -> vector<1024x32xf32>
    %add3A_213 = arith.addf %get3A_210, %dot_general3A_212 : vector<1024x32xf32>
    %swap3A_214 = arith.constant 3072 : index
    %swap3A_215 = arith.constant 0 : index
    %swap3A_216 = vector.load %arg7[%swap3A_214, %swap3A_215] : memref<10240x32xf32, #tpu.memory_space<vmem>>, vector<1024x32xf32>
    tpu.vector_store %arg7[%swap3A_214, %swap3A_215], %add3A_213 {strides = array<i32>} : memref<10240x32xf32, #tpu.memory_space<vmem>>, vector<1024x32xf32>,
    %sub3A_217 = arith.constant 4096 : i32
    %sub3A_218 = vector.broadcast %sub3A_217 : i32 to vector<1x2560xi32>
    %sub3A_219 = arith.subi %get3A_10, %sub3A_218 : vector<1x2560xi32>
    %eq3A_220 = vector.broadcast %sub3A_219 : vector<1x2560xi32> to vector<1024x2560xi32>
    %eq3A_221 = arith.cmpi eq, %eq3A_220, %iota3A : vector<1024x2560xi32>
    %convert_element_type3A_222 = arith.extui %eq3A_221 : vector<1024x2560xi1> to vector<1024x2560xi32>
    %convert_element_type3A_223 = arith.sitofp %convert_element_type3A_222 : vector<1024x2560xi32> to vector<1024x2560xf32>
    %convert_element_type3A_224 = arith.truncf %convert_element_type3A_223 : vector<1024x2560xf32> to vector<1024x2560xbf16>
    %get3A_225 = arith.constant 4096 : index
    %get3A_226 = arith.constant 0 : index
    %get3A_227 = vector.load %arg7[%get3A_225, %get3A_226] : memref<10240x32xf32, #tpu.memory_space<vmem>>, vector<1024x32xf32>
    %dot_general3A_228 = arith.constant dense<0.000000e+00> : vector<1024x32xf32>
    %dot_general3A_229 = tpu.matmul %convert_element_type3A_224, %convert_element_type3A_149, %dot_general3A_228 {dimension_numbers = #tpu.dot_dimension_numbers<[1], [0], [0], [1], [0, 0, 1, 1], [], []>, transpose_lhs_hint = false} : vector<1024x2560xbf16>, vector<2560x32xbf16>, vector<1024x32xf32> -> vector<1024x32xf32>
    %add3A_230 = arith.addf %get3A_227, %dot_general3A_229 : vector<1024x32xf32>
    %swap3A_231 = arith.constant 4096 : index
    %swap3A_232 = arith.constant 0 : index
    %swap3A_233 = vector.load %arg7[%swap3A_231, %swap3A_232] : memref<10240x32xf32, #tpu.memory_space<vmem>>, vector<1024x32xf32>
    tpu.vector_store %arg7[%swap3A_231, %swap3A_232], %add3A_230 {strides = array<i32>} : memref<10240x32xf32, #tpu.memory_space<vmem>>, vector<1024x32xf32>,
    %sub3A_234 = arith.constant 5120 : i32
    %sub3A_235 = vector.broadcast %sub3A_234 : i32 to vector<1x2560xi32>
    %sub3A_236 = arith.subi %get3A_10, %sub3A_235 : vector<1x2560xi32>
    %eq3A_237 = vector.broadcast %sub3A_236 : vector<1x2560xi32> to vector<1024x2560xi32>
    %eq3A_238 = arith.cmpi eq, %eq3A_237, %iota3A : vector<1024x2560xi32>
    %convert_element_type3A_239 = arith.extui %eq3A_238 : vector<1024x2560xi1> to vector<1024x2560xi32>
    %convert_element_type3A_240 = arith.sitofp %convert_element_type3A_239 : vector<1024x2560xi32> to vector<1024x2560xf32>
    %convert_element_type3A_241 = arith.truncf %convert_element_type3A_240 : vector<1024x2560xf32> to vector<1024x2560xbf16>
    %get3A_242 = arith.constant 5120 : index
    %get3A_243 = arith.constant 0 : index
    %get3A_244 = vector.load %arg7[%get3A_242, %get3A_243] : memref<10240x32xf32, #tpu.memory_space<vmem>>, vector<1024x32xf32>
    %dot_general3A_245 = arith.constant dense<0.000000e+00> : vector<1024x32xf32>
    %dot_general3A_246 = tpu.matmul %convert_element_type3A_241, %convert_element_type3A_149, %dot_general3A_245 {dimension_numbers = #tpu.dot_dimension_numbers<[1], [0], [0], [1], [0, 0, 1, 1], [], []>, transpose_lhs_hint = false} : vector<1024x2560xbf16>, vector<2560x32xbf16>, vector<1024x32xf32> -> vector<1024x32xf32>
    %add3A_247 = arith.addf %get3A_244, %dot_general3A_246 : vector<1024x32xf32>
    %swap3A_248 = arith.constant 5120 : index
    %swap3A_249 = arith.constant 0 : index
    %swap3A_250 = vector.load %arg7[%swap3A_248, %swap3A_249] : memref<10240x32xf32, #tpu.memory_space<vmem>>, vector<1024x32xf32>
    tpu.vector_store %arg7[%swap3A_248, %swap3A_249], %add3A_247 {strides = array<i32>} : memref<10240x32xf32, #tpu.memory_space<vmem>>, vector<1024x32xf32>,
    %sub3A_251 = arith.constant 6144 : i32
    %sub3A_252 = vector.broadcast %sub3A_251 : i32 to vector<1x2560xi32>
    %sub3A_253 = arith.subi %get3A_10, %sub3A_252 : vector<1x2560xi32>
    %eq3A_254 = vector.broadcast %sub3A_253 : vector<1x2560xi32> to vector<1024x2560xi32>
    %eq3A_255 = arith.cmpi eq, %eq3A_254, %iota3A : vector<1024x2560xi32>
    %convert_element_type3A_256 = arith.extui %eq3A_255 : vector<1024x2560xi1> to vector<1024x2560xi32>
    %convert_element_type3A_257 = arith.sitofp %convert_element_type3A_256 : vector<1024x2560xi32> to vector<1024x2560xf32>
    %convert_element_type3A_258 = arith.truncf %convert_element_type3A_257 : vector<1024x2560xf32> to vector<1024x2560xbf16>
    %get3A_259 = arith.constant 6144 : index
    %get3A_260 = arith.constant 0 : index
    %get3A_261 = vector.load %arg7[%get3A_259, %get3A_260] : memref<10240x32xf32, #tpu.memory_space<vmem>>, vector<1024x32xf32>
    %dot_general3A_262 = arith.constant dense<0.000000e+00> : vector<1024x32xf32>
    %dot_general3A_263 = tpu.matmul %convert_element_type3A_258, %convert_element_type3A_149, %dot_general3A_262 {dimension_numbers = #tpu.dot_dimension_numbers<[1], [0], [0], [1], [0, 0, 1, 1], [], []>, transpose_lhs_hint = false} : vector<1024x2560xbf16>, vector<2560x32xbf16>, vector<1024x32xf32> -> vector<1024x32xf32>
    %add3A_264 = arith.addf %get3A_261, %dot_general3A_263 : vector<1024x32xf32>
    %swap3A_265 = arith.constant 6144 : index
    %swap3A_266 = arith.constant 0 : index
    %swap3A_267 = vector.load %arg7[%swap3A_265, %swap3A_266] : memref<10240x32xf32, #tpu.memory_space<vmem>>, vector<1024x32xf32>
    tpu.vector_store %arg7[%swap3A_265, %swap3A_266], %add3A_264 {strides = array<i32>} : memref<10240x32xf32, #tpu.memory_space<vmem>>, vector<1024x32xf32>,
    %sub3A_268 = arith.constant 7168 : i32
    %sub3A_269 = vector.broadcast %sub3A_268 : i32 to vector<1x2560xi32>
    %sub3A_270 = arith.subi %get3A_10, %sub3A_269 : vector<1x2560xi32>
    %eq3A_271 = vector.broadcast %sub3A_270 : vector<1x2560xi32> to vector<1024x2560xi32>
    %eq3A_272 = arith.cmpi eq, %eq3A_271, %iota3A : vector<1024x2560xi32>
    %convert_element_type3A_273 = arith.extui %eq3A_272 : vector<1024x2560xi1> to vector<1024x2560xi32>
    %convert_element_type3A_274 = arith.sitofp %convert_element_type3A_273 : vector<1024x2560xi32> to vector<1024x2560xf32>
    %convert_element_type3A_275 = arith.truncf %convert_element_type3A_274 : vector<1024x2560xf32> to vector<1024x2560xbf16>
    %get3A_276 = arith.constant 7168 : index
    %get3A_277 = arith.constant 0 : index
    %get3A_278 = vector.load %arg7[%get3A_276, %get3A_277] : memref<10240x32xf32, #tpu.memory_space<vmem>>, vector<1024x32xf32>
    %dot_general3A_279 = arith.constant dense<0.000000e+00> : vector<1024x32xf32>
    %dot_general3A_280 = tpu.matmul %convert_element_type3A_275, %convert_element_type3A_149, %dot_general3A_279 {dimension_numbers = #tpu.dot_dimension_numbers<[1], [0], [0], [1], [0, 0, 1, 1], [], []>, transpose_lhs_hint = false} : vector<1024x2560xbf16>, vector<2560x32xbf16>, vector<1024x32xf32> -> vector<1024x32xf32>
    %add3A_281 = arith.addf %get3A_278, %dot_general3A_280 : vector<1024x32xf32>
    %swap3A_282 = arith.constant 7168 : index
    %swap3A_283 = arith.constant 0 : index
    %swap3A_284 = vector.load %arg7[%swap3A_282, %swap3A_283] : memref<10240x32xf32, #tpu.memory_space<vmem>>, vector<1024x32xf32>
    tpu.vector_store %arg7[%swap3A_282, %swap3A_283], %add3A_281 {strides = array<i32>} : memref<10240x32xf32, #tpu.memory_space<vmem>>, vector<1024x32xf32>,
    %sub3A_285 = arith.constant 8192 : i32
    %sub3A_286 = vector.broadcast %sub3A_285 : i32 to vector<1x2560xi32>
    %sub3A_287 = arith.subi %get3A_10, %sub3A_286 : vector<1x2560xi32>
    %eq3A_288 = vector.broadcast %sub3A_287 : vector<1x2560xi32> to vector<1024x2560xi32>
    %eq3A_289 = arith.cmpi eq, %eq3A_288, %iota3A : vector<1024x2560xi32>
    %convert_element_type3A_290 = arith.extui %eq3A_289 : vector<1024x2560xi1> to vector<1024x2560xi32>
    %convert_element_type3A_291 = arith.sitofp %convert_element_type3A_290 : vector<1024x2560xi32> to vector<1024x2560xf32>
    %convert_element_type3A_292 = arith.truncf %convert_element_type3A_291 : vector<1024x2560xf32> to vector<1024x2560xbf16>
    %get3A_293 = arith.constant 8192 : index
    %get3A_294 = arith.constant 0 : index
    %get3A_295 = vector.load %arg7[%get3A_293, %get3A_294] : memref<10240x32xf32, #tpu.memory_space<vmem>>, vector<1024x32xf32>
    %dot_general3A_296 = arith.constant dense<0.000000e+00> : vector<1024x32xf32>
    %dot_general3A_297 = tpu.matmul %convert_element_type3A_292, %convert_element_type3A_149, %dot_general3A_296 {dimension_numbers = #tpu.dot_dimension_numbers<[1], [0], [0], [1], [0, 0, 1, 1], [], []>, transpose_lhs_hint = false} : vector<1024x2560xbf16>, vector<2560x32xbf16>, vector<1024x32xf32> -> vector<1024x32xf32>
    %add3A_298 = arith.addf %get3A_295, %dot_general3A_297 : vector<1024x32xf32>
    %swap3A_299 = arith.constant 8192 : index
    %swap3A_300 = arith.constant 0 : index
    %swap3A_301 = vector.load %arg7[%swap3A_299, %swap3A_300] : memref<10240x32xf32, #tpu.memory_space<vmem>>, vector<1024x32xf32>
    tpu.vector_store %arg7[%swap3A_299, %swap3A_300], %add3A_298 {strides = array<i32>} : memref<10240x32xf32, #tpu.memory_space<vmem>>, vector<1024x32xf32>,
    %sub3A_302 = arith.constant 9216 : i32
    %sub3A_303 = vector.broadcast %sub3A_302 : i32 to vector<1x2560xi32>
    %sub3A_304 = arith.subi %get3A_10, %sub3A_303 : vector<1x2560xi32>
    %eq3A_305 = vector.broadcast %sub3A_304 : vector<1x2560xi32> to vector<1024x2560xi32>
    %eq3A_306 = arith.cmpi eq, %eq3A_305, %iota3A : vector<1024x2560xi32>
    %convert_element_type3A_307 = arith.extui %eq3A_306 : vector<1024x2560xi1> to vector<1024x2560xi32>
    %convert_element_type3A_308 = arith.sitofp %convert_element_type3A_307 : vector<1024x2560xi32> to vector<1024x2560xf32>
    %convert_element_type3A_309 = arith.truncf %convert_element_type3A_308 : vector<1024x2560xf32> to vector<1024x2560xbf16>
    %get3A_310 = arith.constant 9216 : index
    %get3A_311 = arith.constant 0 : index
    %get3A_312 = vector.load %arg7[%get3A_310, %get3A_311] : memref<10240x32xf32, #tpu.memory_space<vmem>>, vector<1024x32xf32>
    %dot_general3A_313 = arith.constant dense<0.000000e+00> : vector<1024x32xf32>
    %dot_general3A_314 = tpu.matmul %convert_element_type3A_309, %convert_element_type3A_149, %dot_general3A_313 {dimension_numbers = #tpu.dot_dimension_numbers<[1], [0], [0], [1], [0, 0, 1, 1], [], []>, transpose_lhs_hint = false} : vector<1024x2560xbf16>, vector<2560x32xbf16>, vector<1024x32xf32> -> vector<1024x32xf32>
    %add3A_315 = arith.addf %get3A_312, %dot_general3A_314 : vector<1024x32xf32>
    %swap3A_316 = arith.constant 9216 : index
    %swap3A_317 = arith.constant 0 : index
    %swap3A_318 = vector.load %arg7[%swap3A_316, %swap3A_317] : memref<10240x32xf32, #tpu.memory_space<vmem>>, vector<1024x32xf32>
    tpu.vector_store %arg7[%swap3A_316, %swap3A_317], %add3A_315 {strides = array<i32>} : memref<10240x32xf32, #tpu.memory_space<vmem>>, vector<1024x32xf32>,
    %eq3A_319 = arith.constant 124 : i32
    %eq3A_320 = arith.cmpi eq, %arg0, %eq3A_319 : i32
    %convert_element_type3A_321 = arith.extui %eq3A_320 : i1 to i32
    %cond3A_322 = arith.constant 0 : i32
    %cond3A_323 = arith.cmpi ne, %convert_element_type3A_321, %cond3A_322 : i32
    scf.if %cond3A_323 {
      %get3A_324 = arith.constant 0 : index
      %get3A_325 = arith.constant 0 : index
      %get3A_326 = vector.load %arg6[%get3A_324, %get3A_325] : memref<10240x1xf32, #tpu.memory_space<vmem>>, vector<10240x1xf32>
      %get3A_327 = arith.constant 0 : index
      %get3A_328 = arith.constant 0 : index
      %get3A_329 = vector.load %arg7[%get3A_327, %get3A_328] : memref<10240x32xf32, #tpu.memory_space<vmem>>, vector<10240x32xf32>
      %get3A_330 = arith.constant 0 : index
      %get3A_331 = arith.constant 0 : index
      %get3A_332 = vector.load %arg8[%get3A_330, %get3A_331] : memref<10240x32xbf16, #tpu.memory_space<vmem>>, vector<10240x32xbf16>
      %convert_element_type3A_333 = arith.extf %get3A_332 : vector<10240x32xbf16> to vector<10240x32xf32>
      %add3A_334 = arith.addf %get3A_329, %convert_element_type3A_333 : vector<10240x32xf32>
      %mul3A = vector.broadcast %get3A_326 : vector<10240x1xf32> to vector<10240x32xf32>
      %mul3A_335 = arith.mulf %mul3A, %add3A_334 : vector<10240x32xf32>
      %get3A_336 = arith.constant 0 : index
      %get3A_337 = arith.constant 0 : index
      %get3A_338 = vector.load %arg5[%get3A_336, %get3A_337] : memref<1x32xf32, #tpu.memory_space<vmem>>, vector<1x32xf32>
      %add3A_339 = vector.broadcast %get3A_338 : vector<1x32xf32> to vector<10240x32xf32>
      %add3A_340 = arith.addf %mul3A_335, %add3A_339 : vector<10240x32xf32>
      %tanh3A = math.tanh %add3A_340 : vector<10240x32xf32>
      %swap3A_341 = arith.constant 0 : index
      %swap3A_342 = arith.constant 0 : index
      %swap3A_343 = vector.load %arg7[%swap3A_341, %swap3A_342] : memref<10240x32xf32, #tpu.memory_space<vmem>>, vector<10240x32xf32>
      tpu.vector_store %arg7[%swap3A_341, %swap3A_342], %tanh3A {strides = array<i32>} : memref<10240x32xf32, #tpu.memory_space<vmem>>, vector<10240x32xf32>,
    } else {
    }
    return
  }
  func.func @transform_0(%arg0: i32) -> (i32, i32, i32) {
    %c0_i32 = arith.constant 0 : i32
    %c0_i32_0 = arith.constant 0 : i32
    %c0_i32_1 = arith.constant 0 : i32
    return %arg0, %c0_i32, %c0_i32_0 : i32, i32, i32
  }
  func.func @transform_1(%arg0: i32) -> (i32, i32, i32) {
    %c0_i32 = arith.constant 0 : i32
    %c0_i32_0 = arith.constant 0 : i32
    %c0_i32_1 = arith.constant 0 : i32
    return %arg0, %c0_i32, %c0_i32_0 : i32, i32, i32
  }
  func.func @transform_2(%arg0: i32) -> (i32, i32) {
    %c0_i32 = arith.constant 0 : i32
    %c0_i32_0 = arith.constant 0 : i32
    %c0_i32_1 = arith.constant 0 : i32
    return %c0_i32, %c0_i32_0 : i32, i32
  }
  func.func @transform_3(%arg0: i32) -> (i32, i32) {
    %c0_i32 = arith.constant 0 : i32
    %c0_i32_0 = arith.constant 0 : i32
    %c0_i32_1 = arith.constant 0 : i32
    return %c0_i32, %c0_i32_0 : i32, i32
  }
  func.func @transform_4(%arg0: i32) -> (i32, i32) {
    %c0_i32 = arith.constant 0 : i32
    %c0_i32_0 = arith.constant 0 : i32
    %c0_i32_1 = arith.constant 0 : i32
    return %c0_i32, %c0_i32_0 : i32, i32
  }
  func.func @transform_5(%arg0: i32) -> (i32, i32) {
    %c0_i32 = arith.constant 0 : i32
    %c0_i32_0 = arith.constant 0 : i32
    %c0_i32_1 = arith.constant 0 : i32
    return %c0_i32, %c0_i32_0 : i32, i32
  }
  func.func @transform_6(%arg0: i32) -> (i32, i32) {
    %c0_i32 = arith.constant 0 : i32
    %c0_i32_0 = arith.constant 0 : i32
    %c0_i32_1 = arith.constant 0 : i32
    return %c0_i32, %c0_i32_0 : i32, i32
  }
}

module attributes {stable_mosaic.version = 14 : i64} {
  func.func @_deg_kernel(%arg0: i32, %arg1: memref<1x1x2560xi32, #tpu.memory_space<vmem>>, %arg2: memref<10240x1xf32, #tpu.memory_space<vmem>>) attributes {dimension_semantics = [#tpu.dimension_semantics<arbitrary>], iteration_bounds = array<i64: 125>, scalar_prefetch = 0 : i64, scratch_operands = 0 : i64, tpu.core_type = #tpu.core_type<tc>, window_params = [{transform_indices = @transform_0, window_bounds = array<i64: 1, 1, 2560>}, {pipeline_mode = #tpu.pipeline_mode<synchronous>, transform_indices = @transform_1, window_bounds = array<i64: 10240, 1>}]} {
    %eq3A = arith.constant 0 : i32
    %eq3A_0 = arith.cmpi eq, %arg0, %eq3A : i32
    %convert_element_type3A = arith.extui %eq3A_0 : i1 to i32
    %cond3A = arith.constant 0 : i32
    %cond3A_1 = arith.cmpi ne, %convert_element_type3A, %cond3A : i32
    scf.if %cond3A_1 {
      %broadcast_in_dim3A_186 = arith.constant 1.000000e+00 : f32
      %broadcast_in_dim3A_187 = vector.broadcast %broadcast_in_dim3A_186 : f32 to vector<10240x1xf32>
      %swap3A_188 = arith.constant 0 : index
      %swap3A_189 = arith.constant 0 : index
      %swap3A_190 = vector.load %arg2[%swap3A_188, %swap3A_189] : memref<10240x1xf32, #tpu.memory_space<vmem>>, vector<10240x1xf32>
      tpu.vector_store %arg2[%swap3A_188, %swap3A_189], %broadcast_in_dim3A_187 {strides = array<i32>} : memref<10240x1xf32, #tpu.memory_space<vmem>>, vector<10240x1xf32>,
    } else {
    }
    %get3A = arith.constant 0 : index
    %get3A_2 = arith.constant 0 : index
    %get3A_3 = arith.constant 0 : index
    %get3A_4 = vector.load %arg1[%get3A, %get3A_2, %get3A_3] : memref<1x1x2560xi32, #tpu.memory_space<vmem>>, vector<1x1x2560xi32>
    %get3A_5 = vector.shape_cast %get3A_4 : vector<1x1x2560xi32> to vector<1x2560xi32>
    %iota3A = tpu.iota {dimensions = array<i32: 0>} : vector<1024x2560xi32>
    %add3A = arith.constant 0 : i32
    %add3A_6 = vector.broadcast %add3A : i32 to vector<1024x2560xi32>
    %add3A_7 = arith.addi %iota3A, %add3A_6 : vector<1024x2560xi32>
    %eq3A_8 = vector.broadcast %get3A_5 : vector<1x2560xi32> to vector<1024x2560xi32>
    %eq3A_9 = arith.cmpi eq, %eq3A_8, %add3A_7 : vector<1024x2560xi32>
    %convert_element_type3A_10 = arith.extui %eq3A_9 : vector<1024x2560xi1> to vector<1024x2560xi32>
    %convert_element_type3A_11 = arith.sitofp %convert_element_type3A_10 : vector<1024x2560xi32> to vector<1024x2560xf32>
    %get3A_12 = arith.constant 0 : index
    %get3A_13 = arith.constant 0 : index
    %get3A_14 = vector.load %arg2[%get3A_12, %get3A_13] : memref<10240x1xf32, #tpu.memory_space<vmem>>, vector<1024x1xf32>
    %reduce_sum3A = arith.constant dense<0.000000e+00> : vector<1024xf32>
    %reduce_sum3A_15 = vector.multi_reduction <add>, %convert_element_type3A_11, %reduce_sum3A [1] : vector<1024x2560xf32> to vector<1024xf32>
    %broadcast_in_dim3A = vector.shape_cast %reduce_sum3A_15 : vector<1024xf32> to vector<1024x1xf32>
    %add3A_16 = arith.addf %get3A_14, %broadcast_in_dim3A : vector<1024x1xf32>
    %swap3A = arith.constant 0 : index
    %swap3A_17 = arith.constant 0 : index
    %swap3A_18 = vector.load %arg2[%swap3A, %swap3A_17] : memref<10240x1xf32, #tpu.memory_space<vmem>>, vector<1024x1xf32>
    tpu.vector_store %arg2[%swap3A, %swap3A_17], %add3A_16 {strides = array<i32>} : memref<10240x1xf32, #tpu.memory_space<vmem>>, vector<1024x1xf32>,
    %iota3A_19 = tpu.iota {dimensions = array<i32: 0>} : vector<1024x2560xi32>
    %add3A_20 = arith.constant 1024 : i32
    %add3A_21 = vector.broadcast %add3A_20 : i32 to vector<1024x2560xi32>
    %add3A_22 = arith.addi %iota3A_19, %add3A_21 : vector<1024x2560xi32>
    %eq3A_23 = vector.broadcast %get3A_5 : vector<1x2560xi32> to vector<1024x2560xi32>
    %eq3A_24 = arith.cmpi eq, %eq3A_23, %add3A_22 : vector<1024x2560xi32>
    %convert_element_type3A_25 = arith.extui %eq3A_24 : vector<1024x2560xi1> to vector<1024x2560xi32>
    %convert_element_type3A_26 = arith.sitofp %convert_element_type3A_25 : vector<1024x2560xi32> to vector<1024x2560xf32>
    %get3A_27 = arith.constant 1024 : index
    %get3A_28 = arith.constant 0 : index
    %get3A_29 = vector.load %arg2[%get3A_27, %get3A_28] : memref<10240x1xf32, #tpu.memory_space<vmem>>, vector<1024x1xf32>
    %reduce_sum3A_30 = arith.constant dense<0.000000e+00> : vector<1024xf32>
    %reduce_sum3A_31 = vector.multi_reduction <add>, %convert_element_type3A_26, %reduce_sum3A_30 [1] : vector<1024x2560xf32> to vector<1024xf32>
    %broadcast_in_dim3A_32 = vector.shape_cast %reduce_sum3A_31 : vector<1024xf32> to vector<1024x1xf32>
    %add3A_33 = arith.addf %get3A_29, %broadcast_in_dim3A_32 : vector<1024x1xf32>
    %swap3A_34 = arith.constant 1024 : index
    %swap3A_35 = arith.constant 0 : index
    %swap3A_36 = vector.load %arg2[%swap3A_34, %swap3A_35] : memref<10240x1xf32, #tpu.memory_space<vmem>>, vector<1024x1xf32>
    tpu.vector_store %arg2[%swap3A_34, %swap3A_35], %add3A_33 {strides = array<i32>} : memref<10240x1xf32, #tpu.memory_space<vmem>>, vector<1024x1xf32>,
    %iota3A_37 = tpu.iota {dimensions = array<i32: 0>} : vector<1024x2560xi32>
    %add3A_38 = arith.constant 2048 : i32
    %add3A_39 = vector.broadcast %add3A_38 : i32 to vector<1024x2560xi32>
    %add3A_40 = arith.addi %iota3A_37, %add3A_39 : vector<1024x2560xi32>
    %eq3A_41 = vector.broadcast %get3A_5 : vector<1x2560xi32> to vector<1024x2560xi32>
    %eq3A_42 = arith.cmpi eq, %eq3A_41, %add3A_40 : vector<1024x2560xi32>
    %convert_element_type3A_43 = arith.extui %eq3A_42 : vector<1024x2560xi1> to vector<1024x2560xi32>
    %convert_element_type3A_44 = arith.sitofp %convert_element_type3A_43 : vector<1024x2560xi32> to vector<1024x2560xf32>
    %get3A_45 = arith.constant 2048 : index
    %get3A_46 = arith.constant 0 : index
    %get3A_47 = vector.load %arg2[%get3A_45, %get3A_46] : memref<10240x1xf32, #tpu.memory_space<vmem>>, vector<1024x1xf32>
    %reduce_sum3A_48 = arith.constant dense<0.000000e+00> : vector<1024xf32>
    %reduce_sum3A_49 = vector.multi_reduction <add>, %convert_element_type3A_44, %reduce_sum3A_48 [1] : vector<1024x2560xf32> to vector<1024xf32>
    %broadcast_in_dim3A_50 = vector.shape_cast %reduce_sum3A_49 : vector<1024xf32> to vector<1024x1xf32>
    %add3A_51 = arith.addf %get3A_47, %broadcast_in_dim3A_50 : vector<1024x1xf32>
    %swap3A_52 = arith.constant 2048 : index
    %swap3A_53 = arith.constant 0 : index
    %swap3A_54 = vector.load %arg2[%swap3A_52, %swap3A_53] : memref<10240x1xf32, #tpu.memory_space<vmem>>, vector<1024x1xf32>
    tpu.vector_store %arg2[%swap3A_52, %swap3A_53], %add3A_51 {strides = array<i32>} : memref<10240x1xf32, #tpu.memory_space<vmem>>, vector<1024x1xf32>,
    %iota3A_55 = tpu.iota {dimensions = array<i32: 0>} : vector<1024x2560xi32>
    %add3A_56 = arith.constant 3072 : i32
    %add3A_57 = vector.broadcast %add3A_56 : i32 to vector<1024x2560xi32>
    %add3A_58 = arith.addi %iota3A_55, %add3A_57 : vector<1024x2560xi32>
    %eq3A_59 = vector.broadcast %get3A_5 : vector<1x2560xi32> to vector<1024x2560xi32>
    %eq3A_60 = arith.cmpi eq, %eq3A_59, %add3A_58 : vector<1024x2560xi32>
    %convert_element_type3A_61 = arith.extui %eq3A_60 : vector<1024x2560xi1> to vector<1024x2560xi32>
    %convert_element_type3A_62 = arith.sitofp %convert_element_type3A_61 : vector<1024x2560xi32> to vector<1024x2560xf32>
    %get3A_63 = arith.constant 3072 : index
    %get3A_64 = arith.constant 0 : index
    %get3A_65 = vector.load %arg2[%get3A_63, %get3A_64] : memref<10240x1xf32, #tpu.memory_space<vmem>>, vector<1024x1xf32>
    %reduce_sum3A_66 = arith.constant dense<0.000000e+00> : vector<1024xf32>
    %reduce_sum3A_67 = vector.multi_reduction <add>, %convert_element_type3A_62, %reduce_sum3A_66 [1] : vector<1024x2560xf32> to vector<1024xf32>
    %broadcast_in_dim3A_68 = vector.shape_cast %reduce_sum3A_67 : vector<1024xf32> to vector<1024x1xf32>
    %add3A_69 = arith.addf %get3A_65, %broadcast_in_dim3A_68 : vector<1024x1xf32>
    %swap3A_70 = arith.constant 3072 : index
    %swap3A_71 = arith.constant 0 : index
    %swap3A_72 = vector.load %arg2[%swap3A_70, %swap3A_71] : memref<10240x1xf32, #tpu.memory_space<vmem>>, vector<1024x1xf32>
    tpu.vector_store %arg2[%swap3A_70, %swap3A_71], %add3A_69 {strides = array<i32>} : memref<10240x1xf32, #tpu.memory_space<vmem>>, vector<1024x1xf32>,
    %iota3A_73 = tpu.iota {dimensions = array<i32: 0>} : vector<1024x2560xi32>
    %add3A_74 = arith.constant 4096 : i32
    %add3A_75 = vector.broadcast %add3A_74 : i32 to vector<1024x2560xi32>
    %add3A_76 = arith.addi %iota3A_73, %add3A_75 : vector<1024x2560xi32>
    %eq3A_77 = vector.broadcast %get3A_5 : vector<1x2560xi32> to vector<1024x2560xi32>
    %eq3A_78 = arith.cmpi eq, %eq3A_77, %add3A_76 : vector<1024x2560xi32>
    %convert_element_type3A_79 = arith.extui %eq3A_78 : vector<1024x2560xi1> to vector<1024x2560xi32>
    %convert_element_type3A_80 = arith.sitofp %convert_element_type3A_79 : vector<1024x2560xi32> to vector<1024x2560xf32>
    %get3A_81 = arith.constant 4096 : index
    %get3A_82 = arith.constant 0 : index
    %get3A_83 = vector.load %arg2[%get3A_81, %get3A_82] : memref<10240x1xf32, #tpu.memory_space<vmem>>, vector<1024x1xf32>
    %reduce_sum3A_84 = arith.constant dense<0.000000e+00> : vector<1024xf32>
    %reduce_sum3A_85 = vector.multi_reduction <add>, %convert_element_type3A_80, %reduce_sum3A_84 [1] : vector<1024x2560xf32> to vector<1024xf32>
    %broadcast_in_dim3A_86 = vector.shape_cast %reduce_sum3A_85 : vector<1024xf32> to vector<1024x1xf32>
    %add3A_87 = arith.addf %get3A_83, %broadcast_in_dim3A_86 : vector<1024x1xf32>
    %swap3A_88 = arith.constant 4096 : index
    %swap3A_89 = arith.constant 0 : index
    %swap3A_90 = vector.load %arg2[%swap3A_88, %swap3A_89] : memref<10240x1xf32, #tpu.memory_space<vmem>>, vector<1024x1xf32>
    tpu.vector_store %arg2[%swap3A_88, %swap3A_89], %add3A_87 {strides = array<i32>} : memref<10240x1xf32, #tpu.memory_space<vmem>>, vector<1024x1xf32>,
    %iota3A_91 = tpu.iota {dimensions = array<i32: 0>} : vector<1024x2560xi32>
    %add3A_92 = arith.constant 5120 : i32
    %add3A_93 = vector.broadcast %add3A_92 : i32 to vector<1024x2560xi32>
    %add3A_94 = arith.addi %iota3A_91, %add3A_93 : vector<1024x2560xi32>
    %eq3A_95 = vector.broadcast %get3A_5 : vector<1x2560xi32> to vector<1024x2560xi32>
    %eq3A_96 = arith.cmpi eq, %eq3A_95, %add3A_94 : vector<1024x2560xi32>
    %convert_element_type3A_97 = arith.extui %eq3A_96 : vector<1024x2560xi1> to vector<1024x2560xi32>
    %convert_element_type3A_98 = arith.sitofp %convert_element_type3A_97 : vector<1024x2560xi32> to vector<1024x2560xf32>
    %get3A_99 = arith.constant 5120 : index
    %get3A_100 = arith.constant 0 : index
    %get3A_101 = vector.load %arg2[%get3A_99, %get3A_100] : memref<10240x1xf32, #tpu.memory_space<vmem>>, vector<1024x1xf32>
    %reduce_sum3A_102 = arith.constant dense<0.000000e+00> : vector<1024xf32>
    %reduce_sum3A_103 = vector.multi_reduction <add>, %convert_element_type3A_98, %reduce_sum3A_102 [1] : vector<1024x2560xf32> to vector<1024xf32>
    %broadcast_in_dim3A_104 = vector.shape_cast %reduce_sum3A_103 : vector<1024xf32> to vector<1024x1xf32>
    %add3A_105 = arith.addf %get3A_101, %broadcast_in_dim3A_104 : vector<1024x1xf32>
    %swap3A_106 = arith.constant 5120 : index
    %swap3A_107 = arith.constant 0 : index
    %swap3A_108 = vector.load %arg2[%swap3A_106, %swap3A_107] : memref<10240x1xf32, #tpu.memory_space<vmem>>, vector<1024x1xf32>
    tpu.vector_store %arg2[%swap3A_106, %swap3A_107], %add3A_105 {strides = array<i32>} : memref<10240x1xf32, #tpu.memory_space<vmem>>, vector<1024x1xf32>,
    %iota3A_109 = tpu.iota {dimensions = array<i32: 0>} : vector<1024x2560xi32>
    %add3A_110 = arith.constant 6144 : i32
    %add3A_111 = vector.broadcast %add3A_110 : i32 to vector<1024x2560xi32>
    %add3A_112 = arith.addi %iota3A_109, %add3A_111 : vector<1024x2560xi32>
    %eq3A_113 = vector.broadcast %get3A_5 : vector<1x2560xi32> to vector<1024x2560xi32>
    %eq3A_114 = arith.cmpi eq, %eq3A_113, %add3A_112 : vector<1024x2560xi32>
    %convert_element_type3A_115 = arith.extui %eq3A_114 : vector<1024x2560xi1> to vector<1024x2560xi32>
    %convert_element_type3A_116 = arith.sitofp %convert_element_type3A_115 : vector<1024x2560xi32> to vector<1024x2560xf32>
    %get3A_117 = arith.constant 6144 : index
    %get3A_118 = arith.constant 0 : index
    %get3A_119 = vector.load %arg2[%get3A_117, %get3A_118] : memref<10240x1xf32, #tpu.memory_space<vmem>>, vector<1024x1xf32>
    %reduce_sum3A_120 = arith.constant dense<0.000000e+00> : vector<1024xf32>
    %reduce_sum3A_121 = vector.multi_reduction <add>, %convert_element_type3A_116, %reduce_sum3A_120 [1] : vector<1024x2560xf32> to vector<1024xf32>
    %broadcast_in_dim3A_122 = vector.shape_cast %reduce_sum3A_121 : vector<1024xf32> to vector<1024x1xf32>
    %add3A_123 = arith.addf %get3A_119, %broadcast_in_dim3A_122 : vector<1024x1xf32>
    %swap3A_124 = arith.constant 6144 : index
    %swap3A_125 = arith.constant 0 : index
    %swap3A_126 = vector.load %arg2[%swap3A_124, %swap3A_125] : memref<10240x1xf32, #tpu.memory_space<vmem>>, vector<1024x1xf32>
    tpu.vector_store %arg2[%swap3A_124, %swap3A_125], %add3A_123 {strides = array<i32>} : memref<10240x1xf32, #tpu.memory_space<vmem>>, vector<1024x1xf32>,
    %iota3A_127 = tpu.iota {dimensions = array<i32: 0>} : vector<1024x2560xi32>
    %add3A_128 = arith.constant 7168 : i32
    %add3A_129 = vector.broadcast %add3A_128 : i32 to vector<1024x2560xi32>
    %add3A_130 = arith.addi %iota3A_127, %add3A_129 : vector<1024x2560xi32>
    %eq3A_131 = vector.broadcast %get3A_5 : vector<1x2560xi32> to vector<1024x2560xi32>
    %eq3A_132 = arith.cmpi eq, %eq3A_131, %add3A_130 : vector<1024x2560xi32>
    %convert_element_type3A_133 = arith.extui %eq3A_132 : vector<1024x2560xi1> to vector<1024x2560xi32>
    %convert_element_type3A_134 = arith.sitofp %convert_element_type3A_133 : vector<1024x2560xi32> to vector<1024x2560xf32>
    %get3A_135 = arith.constant 7168 : index
    %get3A_136 = arith.constant 0 : index
    %get3A_137 = vector.load %arg2[%get3A_135, %get3A_136] : memref<10240x1xf32, #tpu.memory_space<vmem>>, vector<1024x1xf32>
    %reduce_sum3A_138 = arith.constant dense<0.000000e+00> : vector<1024xf32>
    %reduce_sum3A_139 = vector.multi_reduction <add>, %convert_element_type3A_134, %reduce_sum3A_138 [1] : vector<1024x2560xf32> to vector<1024xf32>
    %broadcast_in_dim3A_140 = vector.shape_cast %reduce_sum3A_139 : vector<1024xf32> to vector<1024x1xf32>
    %add3A_141 = arith.addf %get3A_137, %broadcast_in_dim3A_140 : vector<1024x1xf32>
    %swap3A_142 = arith.constant 7168 : index
    %swap3A_143 = arith.constant 0 : index
    %swap3A_144 = vector.load %arg2[%swap3A_142, %swap3A_143] : memref<10240x1xf32, #tpu.memory_space<vmem>>, vector<1024x1xf32>
    tpu.vector_store %arg2[%swap3A_142, %swap3A_143], %add3A_141 {strides = array<i32>} : memref<10240x1xf32, #tpu.memory_space<vmem>>, vector<1024x1xf32>,
    %iota3A_145 = tpu.iota {dimensions = array<i32: 0>} : vector<1024x2560xi32>
    %add3A_146 = arith.constant 8192 : i32
    %add3A_147 = vector.broadcast %add3A_146 : i32 to vector<1024x2560xi32>
    %add3A_148 = arith.addi %iota3A_145, %add3A_147 : vector<1024x2560xi32>
    %eq3A_149 = vector.broadcast %get3A_5 : vector<1x2560xi32> to vector<1024x2560xi32>
    %eq3A_150 = arith.cmpi eq, %eq3A_149, %add3A_148 : vector<1024x2560xi32>
    %convert_element_type3A_151 = arith.extui %eq3A_150 : vector<1024x2560xi1> to vector<1024x2560xi32>
    %convert_element_type3A_152 = arith.sitofp %convert_element_type3A_151 : vector<1024x2560xi32> to vector<1024x2560xf32>
    %get3A_153 = arith.constant 8192 : index
    %get3A_154 = arith.constant 0 : index
    %get3A_155 = vector.load %arg2[%get3A_153, %get3A_154] : memref<10240x1xf32, #tpu.memory_space<vmem>>, vector<1024x1xf32>
    %reduce_sum3A_156 = arith.constant dense<0.000000e+00> : vector<1024xf32>
    %reduce_sum3A_157 = vector.multi_reduction <add>, %convert_element_type3A_152, %reduce_sum3A_156 [1] : vector<1024x2560xf32> to vector<1024xf32>
    %broadcast_in_dim3A_158 = vector.shape_cast %reduce_sum3A_157 : vector<1024xf32> to vector<1024x1xf32>
    %add3A_159 = arith.addf %get3A_155, %broadcast_in_dim3A_158 : vector<1024x1xf32>
    %swap3A_160 = arith.constant 8192 : index
    %swap3A_161 = arith.constant 0 : index
    %swap3A_162 = vector.load %arg2[%swap3A_160, %swap3A_161] : memref<10240x1xf32, #tpu.memory_space<vmem>>, vector<1024x1xf32>
    tpu.vector_store %arg2[%swap3A_160, %swap3A_161], %add3A_159 {strides = array<i32>} : memref<10240x1xf32, #tpu.memory_space<vmem>>, vector<1024x1xf32>,
    %iota3A_163 = tpu.iota {dimensions = array<i32: 0>} : vector<1024x2560xi32>
    %add3A_164 = arith.constant 9216 : i32
    %add3A_165 = vector.broadcast %add3A_164 : i32 to vector<1024x2560xi32>
    %add3A_166 = arith.addi %iota3A_163, %add3A_165 : vector<1024x2560xi32>
    %eq3A_167 = vector.broadcast %get3A_5 : vector<1x2560xi32> to vector<1024x2560xi32>
    %eq3A_168 = arith.cmpi eq, %eq3A_167, %add3A_166 : vector<1024x2560xi32>
    %convert_element_type3A_169 = arith.extui %eq3A_168 : vector<1024x2560xi1> to vector<1024x2560xi32>
    %convert_element_type3A_170 = arith.sitofp %convert_element_type3A_169 : vector<1024x2560xi32> to vector<1024x2560xf32>
    %get3A_171 = arith.constant 9216 : index
    %get3A_172 = arith.constant 0 : index
    %get3A_173 = vector.load %arg2[%get3A_171, %get3A_172] : memref<10240x1xf32, #tpu.memory_space<vmem>>, vector<1024x1xf32>
    %reduce_sum3A_174 = arith.constant dense<0.000000e+00> : vector<1024xf32>
    %reduce_sum3A_175 = vector.multi_reduction <add>, %convert_element_type3A_170, %reduce_sum3A_174 [1] : vector<1024x2560xf32> to vector<1024xf32>
    %broadcast_in_dim3A_176 = vector.shape_cast %reduce_sum3A_175 : vector<1024xf32> to vector<1024x1xf32>
    %add3A_177 = arith.addf %get3A_173, %broadcast_in_dim3A_176 : vector<1024x1xf32>
    %swap3A_178 = arith.constant 9216 : index
    %swap3A_179 = arith.constant 0 : index
    %swap3A_180 = vector.load %arg2[%swap3A_178, %swap3A_179] : memref<10240x1xf32, #tpu.memory_space<vmem>>, vector<1024x1xf32>
    tpu.vector_store %arg2[%swap3A_178, %swap3A_179], %add3A_177 {strides = array<i32>} : memref<10240x1xf32, #tpu.memory_space<vmem>>, vector<1024x1xf32>,
    %eq3A_181 = arith.constant 124 : i32
    %eq3A_182 = arith.cmpi eq, %arg0, %eq3A_181 : i32
    %convert_element_type3A_183 = arith.extui %eq3A_182 : i1 to i32
    %cond3A_184 = arith.constant 0 : i32
    %cond3A_185 = arith.cmpi ne, %convert_element_type3A_183, %cond3A_184 : i32
    scf.if %cond3A_185 {
      %get3A_186 = arith.constant 0 : index
      %get3A_187 = arith.constant 0 : index
      %get3A_188 = vector.load %arg2[%get3A_186, %get3A_187] : memref<10240x1xf32, #tpu.memory_space<vmem>>, vector<10240x1xf32>
      %rsqrt3A = math.rsqrt %get3A_188 : vector<10240x1xf32>
      %swap3A_189 = arith.constant 0 : index
      %swap3A_190 = arith.constant 0 : index
      %swap3A_191 = vector.load %arg2[%swap3A_189, %swap3A_190] : memref<10240x1xf32, #tpu.memory_space<vmem>>, vector<10240x1xf32>
      tpu.vector_store %arg2[%swap3A_189, %swap3A_190], %rsqrt3A {strides = array<i32>} : memref<10240x1xf32, #tpu.memory_space<vmem>>, vector<10240x1xf32>,
    } else {
    }
    return
  }
  func.func @transform_0(%arg0: i32) -> (i32, i32, i32) {
    %c0_i32 = arith.constant 0 : i32
    %c0_i32_0 = arith.constant 0 : i32
    %c0_i32_1 = arith.constant 0 : i32
    return %arg0, %c0_i32, %c0_i32_0 : i32, i32, i32
  }
  func.func @transform_1(%arg0: i32) -> (i32, i32) {
    %c0_i32 = arith.constant 0 : i32
    %c0_i32_0 = arith.constant 0 : i32
    %c0_i32_1 = arith.constant 0 : i32
    return %c0_i32, %c0_i32_0 : i32, i32
  }
}

module attributes {stable_mosaic.version = 14 : i64} {
  func.func @_gcn_kernel(%arg0: i32, %arg1: memref<1x1x2560xi32, #tpu.memory_space<vmem>>, %arg2: memref<1x1x2560xi32, #tpu.memory_space<vmem>>, %arg3: memref<10240x32xf32, #tpu.memory_space<vmem>>, %arg4: memref<32x32xf32, #tpu.memory_space<vmem>>, %arg5: memref<1x32xf32, #tpu.memory_space<vmem>>, %arg6: memref<10240x1xf32, #tpu.memory_space<vmem>>, %arg7: memref<10240x32xf32, #tpu.memory_space<vmem>>, %arg8: memref<10240x32xbf16, #tpu.memory_space<vmem>>) attributes {dimension_semantics = [#tpu.dimension_semantics<arbitrary>], iteration_bounds = array<i64: 125>, scalar_prefetch = 0 : i64, scratch_operands = 1 : i64, tpu.core_type = #tpu.core_type<tc>, window_params = [{transform_indices = @transform_0, window_bounds = array<i64: 1, 1, 2560>}, {transform_indices = @transform_1, window_bounds = array<i64: 1, 1, 2560>}, {pipeline_mode = #tpu.pipeline_mode<synchronous>, transform_indices = @transform_2, window_bounds = array<i64: 10240, 32>}, {pipeline_mode = #tpu.pipeline_mode<synchronous>, transform_indices = @transform_3, window_bounds = array<i64: 32, 32>}, {pipeline_mode = #tpu.pipeline_mode<synchronous>, transform_indices = @transform_4, window_bounds = array<i64: 1, 32>}, {pipeline_mode = #tpu.pipeline_mode<synchronous>, transform_indices = @transform_5, window_bounds = array<i64: 10240, 1>}, {pipeline_mode = #tpu.pipeline_mode<synchronous>, transform_indices = @transform_6, window_bounds = array<i64: 10240, 32>}]} {
    %eq3A = arith.constant 0 : i32
    %eq3A_0 = arith.cmpi eq, %arg0, %eq3A : i32
    %convert_element_type3A = arith.extui %eq3A_0 : i1 to i32
    %cond3A = arith.constant 0 : i32
    %cond3A_1 = arith.cmpi ne, %convert_element_type3A, %cond3A : i32
    scf.if %cond3A_1 {
      %get3A_324 = arith.constant 0 : index
      %get3A_325 = arith.constant 0 : index
      %get3A_326 = vector.load %arg3[%get3A_324, %get3A_325] : memref<10240x32xf32, #tpu.memory_space<vmem>>, vector<10240x32xf32>
      %get3A_327 = arith.constant 0 : index
      %get3A_328 = arith.constant 0 : index
      %get3A_329 = vector.load %arg4[%get3A_327, %get3A_328] : memref<32x32xf32, #tpu.memory_space<vmem>>, vector<32x32xf32>
      %dot_general3A_330 = arith.constant dense<0.000000e+00> : vector<10240x32xf32>
      %dot_general3A_331 = tpu.matmul %get3A_326, %get3A_329, %dot_general3A_330 {dimension_numbers = #tpu.dot_dimension_numbers<[1], [0], [0], [1], [0, 0, 1, 1], [], []>, transpose_lhs_hint = false} : vector<10240x32xf32>, vector<32x32xf32>, vector<10240x32xf32> -> vector<10240x32xf32>
      %get3A_332 = arith.constant 0 : index
      %get3A_333 = arith.constant 0 : index
      %get3A_334 = vector.load %arg6[%get3A_332, %get3A_333] : memref<10240x1xf32, #tpu.memory_space<vmem>>, vector<10240x1xf32>
      %mul3A = vector.broadcast %get3A_334 : vector<10240x1xf32> to vector<10240x32xf32>
      %mul3A_335 = arith.mulf %mul3A, %dot_general3A_331 : vector<10240x32xf32>
      %convert_element_type3A_336 = arith.truncf %mul3A_335 : vector<10240x32xf32> to vector<10240x32xbf16>
      %swap3A_337 = arith.constant 0 : index
      %swap3A_338 = arith.constant 0 : index
      %swap3A_339 = vector.load %arg8[%swap3A_337, %swap3A_338] : memref<10240x32xbf16, #tpu.memory_space<vmem>>, vector<10240x32xbf16>
      tpu.vector_store %arg8[%swap3A_337, %swap3A_338], %convert_element_type3A_336 {strides = array<i32>} : memref<10240x32xbf16, #tpu.memory_space<vmem>>, vector<10240x32xbf16>,
      %broadcast_in_dim3A_340 = arith.constant 0.000000e+00 : f32
      %broadcast_in_dim3A_341 = vector.broadcast %broadcast_in_dim3A_340 : f32 to vector<10240x32xf32>
      %swap3A_342 = arith.constant 0 : index
      %swap3A_343 = arith.constant 0 : index
      %swap3A_344 = vector.load %arg7[%swap3A_342, %swap3A_343] : memref<10240x32xf32, #tpu.memory_space<vmem>>, vector<10240x32xf32>
      tpu.vector_store %arg7[%swap3A_342, %swap3A_343], %broadcast_in_dim3A_341 {strides = array<i32>} : memref<10240x32xf32, #tpu.memory_space<vmem>>, vector<10240x32xf32>,
    } else {
    }
    %get3A = arith.constant 0 : index
    %get3A_2 = arith.constant 0 : index
    %get3A_3 = arith.constant 0 : index
    %get3A_4 = vector.load %arg1[%get3A, %get3A_2, %get3A_3] : memref<1x1x2560xi32, #tpu.memory_space<vmem>>, vector<1x1x2560xi32>
    %get3A_5 = vector.shape_cast %get3A_4 : vector<1x1x2560xi32> to vector<1x2560xi32>
    %get3A_6 = arith.constant 0 : index
    %get3A_7 = arith.constant 0 : index
    %get3A_8 = arith.constant 0 : index
    %get3A_9 = vector.load %arg2[%get3A_6, %get3A_7, %get3A_8] : memref<1x1x2560xi32, #tpu.memory_space<vmem>>, vector<1x1x2560xi32>
    %get3A_10 = vector.shape_cast %get3A_9 : vector<1x1x2560xi32> to vector<1x2560xi32>
    %iota3A = tpu.iota {dimensions = array<i32: 0>} : vector<1024x2560xi32>
    %broadcast_in_dim3A = arith.constant 0.000000e+00 : f32
    %broadcast_in_dim3A_11 = vector.broadcast %broadcast_in_dim3A : f32 to vector<2560x32xf32>
    %sub3A = arith.constant 0 : i32
    %sub3A_12 = vector.broadcast %sub3A : i32 to vector<1x2560xi32>
    %sub3A_13 = arith.subi %get3A_5, %sub3A_12 : vector<1x2560xi32>
    %eq3A_14 = vector.broadcast %sub3A_13 : vector<1x2560xi32> to vector<1024x2560xi32>
    %eq3A_15 = arith.cmpi eq, %eq3A_14, %iota3A : vector<1024x2560xi32>
    %convert_element_type3A_16 = arith.extui %eq3A_15 : vector<1024x2560xi1> to vector<1024x2560xi32>
    %convert_element_type3A_17 = arith.sitofp %convert_element_type3A_16 : vector<1024x2560xi32> to vector<1024x2560xf32>
    %convert_element_type3A_18 = arith.truncf %convert_element_type3A_17 : vector<1024x2560xf32> to vector<1024x2560xbf16>
    %get3A_19 = arith.constant 0 : index
    %get3A_20 = arith.constant 0 : index
    %get3A_21 = vector.load %arg8[%get3A_19, %get3A_20] : memref<10240x32xbf16, #tpu.memory_space<vmem>>, vector<1024x32xbf16>
    %dot_general3A = arith.constant dense<0.000000e+00> : vector<2560x32xf32>
    %dot_general3A_22 = tpu.matmul %convert_element_type3A_18, %get3A_21, %dot_general3A {dimension_numbers = #tpu.dot_dimension_numbers<[0], [0], [1], [1], [0, 1, 1, 1], [], []>, transpose_lhs_hint = false} : vector<1024x2560xbf16>, vector<1024x32xbf16>, vector<2560x32xf32> -> vector<2560x32xf32>
    %add3A = arith.addf %broadcast_in_dim3A_11, %dot_general3A_22 : vector<2560x32xf32>
    %sub3A_23 = arith.constant 1024 : i32
    %sub3A_24 = vector.broadcast %sub3A_23 : i32 to vector<1x2560xi32>
    %sub3A_25 = arith.subi %get3A_5, %sub3A_24 : vector<1x2560xi32>
    %eq3A_26 = vector.broadcast %sub3A_25 : vector<1x2560xi32> to vector<1024x2560xi32>
    %eq3A_27 = arith.cmpi eq, %eq3A_26, %iota3A : vector<1024x2560xi32>
    %convert_element_type3A_28 = arith.extui %eq3A_27 : vector<1024x2560xi1> to vector<1024x2560xi32>
    %convert_element_type3A_29 = arith.sitofp %convert_element_type3A_28 : vector<1024x2560xi32> to vector<1024x2560xf32>
    %convert_element_type3A_30 = arith.truncf %convert_element_type3A_29 : vector<1024x2560xf32> to vector<1024x2560xbf16>
    %get3A_31 = arith.constant 1024 : index
    %get3A_32 = arith.constant 0 : index
    %get3A_33 = vector.load %arg8[%get3A_31, %get3A_32] : memref<10240x32xbf16, #tpu.memory_space<vmem>>, vector<1024x32xbf16>
    %dot_general3A_34 = arith.constant dense<0.000000e+00> : vector<2560x32xf32>
    %dot_general3A_35 = tpu.matmul %convert_element_type3A_30, %get3A_33, %dot_general3A_34 {dimension_numbers = #tpu.dot_dimension_numbers<[0], [0], [1], [1], [0, 1, 1, 1], [], []>, transpose_lhs_hint = false} : vector<1024x2560xbf16>, vector<1024x32xbf16>, vector<2560x32xf32> -> vector<2560x32xf32>
    %add3A_36 = arith.addf %add3A, %dot_general3A_35 : vector<2560x32xf32>
    %sub3A_37 = arith.constant 2048 : i32
    %sub3A_38 = vector.broadcast %sub3A_37 : i32 to vector<1x2560xi32>
    %sub3A_39 = arith.subi %get3A_5, %sub3A_38 : vector<1x2560xi32>
    %eq3A_40 = vector.broadcast %sub3A_39 : vector<1x2560xi32> to vector<1024x2560xi32>
    %eq3A_41 = arith.cmpi eq, %eq3A_40, %iota3A : vector<1024x2560xi32>
    %convert_element_type3A_42 = arith.extui %eq3A_41 : vector<1024x2560xi1> to vector<1024x2560xi32>
    %convert_element_type3A_43 = arith.sitofp %convert_element_type3A_42 : vector<1024x2560xi32> to vector<1024x2560xf32>
    %convert_element_type3A_44 = arith.truncf %convert_element_type3A_43 : vector<1024x2560xf32> to vector<1024x2560xbf16>
    %get3A_45 = arith.constant 2048 : index
    %get3A_46 = arith.constant 0 : index
    %get3A_47 = vector.load %arg8[%get3A_45, %get3A_46] : memref<10240x32xbf16, #tpu.memory_space<vmem>>, vector<1024x32xbf16>
    %dot_general3A_48 = arith.constant dense<0.000000e+00> : vector<2560x32xf32>
    %dot_general3A_49 = tpu.matmul %convert_element_type3A_44, %get3A_47, %dot_general3A_48 {dimension_numbers = #tpu.dot_dimension_numbers<[0], [0], [1], [1], [0, 1, 1, 1], [], []>, transpose_lhs_hint = false} : vector<1024x2560xbf16>, vector<1024x32xbf16>, vector<2560x32xf32> -> vector<2560x32xf32>
    %add3A_50 = arith.addf %add3A_36, %dot_general3A_49 : vector<2560x32xf32>
    %sub3A_51 = arith.constant 3072 : i32
    %sub3A_52 = vector.broadcast %sub3A_51 : i32 to vector<1x2560xi32>
    %sub3A_53 = arith.subi %get3A_5, %sub3A_52 : vector<1x2560xi32>
    %eq3A_54 = vector.broadcast %sub3A_53 : vector<1x2560xi32> to vector<1024x2560xi32>
    %eq3A_55 = arith.cmpi eq, %eq3A_54, %iota3A : vector<1024x2560xi32>
    %convert_element_type3A_56 = arith.extui %eq3A_55 : vector<1024x2560xi1> to vector<1024x2560xi32>
    %convert_element_type3A_57 = arith.sitofp %convert_element_type3A_56 : vector<1024x2560xi32> to vector<1024x2560xf32>
    %convert_element_type3A_58 = arith.truncf %convert_element_type3A_57 : vector<1024x2560xf32> to vector<1024x2560xbf16>
    %get3A_59 = arith.constant 3072 : index
    %get3A_60 = arith.constant 0 : index
    %get3A_61 = vector.load %arg8[%get3A_59, %get3A_60] : memref<10240x32xbf16, #tpu.memory_space<vmem>>, vector<1024x32xbf16>
    %dot_general3A_62 = arith.constant dense<0.000000e+00> : vector<2560x32xf32>
    %dot_general3A_63 = tpu.matmul %convert_element_type3A_58, %get3A_61, %dot_general3A_62 {dimension_numbers = #tpu.dot_dimension_numbers<[0], [0], [1], [1], [0, 1, 1, 1], [], []>, transpose_lhs_hint = false} : vector<1024x2560xbf16>, vector<1024x32xbf16>, vector<2560x32xf32> -> vector<2560x32xf32>
    %add3A_64 = arith.addf %add3A_50, %dot_general3A_63 : vector<2560x32xf32>
    %sub3A_65 = arith.constant 4096 : i32
    %sub3A_66 = vector.broadcast %sub3A_65 : i32 to vector<1x2560xi32>
    %sub3A_67 = arith.subi %get3A_5, %sub3A_66 : vector<1x2560xi32>
    %eq3A_68 = vector.broadcast %sub3A_67 : vector<1x2560xi32> to vector<1024x2560xi32>
    %eq3A_69 = arith.cmpi eq, %eq3A_68, %iota3A : vector<1024x2560xi32>
    %convert_element_type3A_70 = arith.extui %eq3A_69 : vector<1024x2560xi1> to vector<1024x2560xi32>
    %convert_element_type3A_71 = arith.sitofp %convert_element_type3A_70 : vector<1024x2560xi32> to vector<1024x2560xf32>
    %convert_element_type3A_72 = arith.truncf %convert_element_type3A_71 : vector<1024x2560xf32> to vector<1024x2560xbf16>
    %get3A_73 = arith.constant 4096 : index
    %get3A_74 = arith.constant 0 : index
    %get3A_75 = vector.load %arg8[%get3A_73, %get3A_74] : memref<10240x32xbf16, #tpu.memory_space<vmem>>, vector<1024x32xbf16>
    %dot_general3A_76 = arith.constant dense<0.000000e+00> : vector<2560x32xf32>
    %dot_general3A_77 = tpu.matmul %convert_element_type3A_72, %get3A_75, %dot_general3A_76 {dimension_numbers = #tpu.dot_dimension_numbers<[0], [0], [1], [1], [0, 1, 1, 1], [], []>, transpose_lhs_hint = false} : vector<1024x2560xbf16>, vector<1024x32xbf16>, vector<2560x32xf32> -> vector<2560x32xf32>
    %add3A_78 = arith.addf %add3A_64, %dot_general3A_77 : vector<2560x32xf32>
    %sub3A_79 = arith.constant 5120 : i32
    %sub3A_80 = vector.broadcast %sub3A_79 : i32 to vector<1x2560xi32>
    %sub3A_81 = arith.subi %get3A_5, %sub3A_80 : vector<1x2560xi32>
    %eq3A_82 = vector.broadcast %sub3A_81 : vector<1x2560xi32> to vector<1024x2560xi32>
    %eq3A_83 = arith.cmpi eq, %eq3A_82, %iota3A : vector<1024x2560xi32>
    %convert_element_type3A_84 = arith.extui %eq3A_83 : vector<1024x2560xi1> to vector<1024x2560xi32>
    %convert_element_type3A_85 = arith.sitofp %convert_element_type3A_84 : vector<1024x2560xi32> to vector<1024x2560xf32>
    %convert_element_type3A_86 = arith.truncf %convert_element_type3A_85 : vector<1024x2560xf32> to vector<1024x2560xbf16>
    %get3A_87 = arith.constant 5120 : index
    %get3A_88 = arith.constant 0 : index
    %get3A_89 = vector.load %arg8[%get3A_87, %get3A_88] : memref<10240x32xbf16, #tpu.memory_space<vmem>>, vector<1024x32xbf16>
    %dot_general3A_90 = arith.constant dense<0.000000e+00> : vector<2560x32xf32>
    %dot_general3A_91 = tpu.matmul %convert_element_type3A_86, %get3A_89, %dot_general3A_90 {dimension_numbers = #tpu.dot_dimension_numbers<[0], [0], [1], [1], [0, 1, 1, 1], [], []>, transpose_lhs_hint = false} : vector<1024x2560xbf16>, vector<1024x32xbf16>, vector<2560x32xf32> -> vector<2560x32xf32>
    %add3A_92 = arith.addf %add3A_78, %dot_general3A_91 : vector<2560x32xf32>
    %sub3A_93 = arith.constant 6144 : i32
    %sub3A_94 = vector.broadcast %sub3A_93 : i32 to vector<1x2560xi32>
    %sub3A_95 = arith.subi %get3A_5, %sub3A_94 : vector<1x2560xi32>
    %eq3A_96 = vector.broadcast %sub3A_95 : vector<1x2560xi32> to vector<1024x2560xi32>
    %eq3A_97 = arith.cmpi eq, %eq3A_96, %iota3A : vector<1024x2560xi32>
    %convert_element_type3A_98 = arith.extui %eq3A_97 : vector<1024x2560xi1> to vector<1024x2560xi32>
    %convert_element_type3A_99 = arith.sitofp %convert_element_type3A_98 : vector<1024x2560xi32> to vector<1024x2560xf32>
    %convert_element_type3A_100 = arith.truncf %convert_element_type3A_99 : vector<1024x2560xf32> to vector<1024x2560xbf16>
    %get3A_101 = arith.constant 6144 : index
    %get3A_102 = arith.constant 0 : index
    %get3A_103 = vector.load %arg8[%get3A_101, %get3A_102] : memref<10240x32xbf16, #tpu.memory_space<vmem>>, vector<1024x32xbf16>
    %dot_general3A_104 = arith.constant dense<0.000000e+00> : vector<2560x32xf32>
    %dot_general3A_105 = tpu.matmul %convert_element_type3A_100, %get3A_103, %dot_general3A_104 {dimension_numbers = #tpu.dot_dimension_numbers<[0], [0], [1], [1], [0, 1, 1, 1], [], []>, transpose_lhs_hint = false} : vector<1024x2560xbf16>, vector<1024x32xbf16>, vector<2560x32xf32> -> vector<2560x32xf32>
    %add3A_106 = arith.addf %add3A_92, %dot_general3A_105 : vector<2560x32xf32>
    %sub3A_107 = arith.constant 7168 : i32
    %sub3A_108 = vector.broadcast %sub3A_107 : i32 to vector<1x2560xi32>
    %sub3A_109 = arith.subi %get3A_5, %sub3A_108 : vector<1x2560xi32>
    %eq3A_110 = vector.broadcast %sub3A_109 : vector<1x2560xi32> to vector<1024x2560xi32>
    %eq3A_111 = arith.cmpi eq, %eq3A_110, %iota3A : vector<1024x2560xi32>
    %convert_element_type3A_112 = arith.extui %eq3A_111 : vector<1024x2560xi1> to vector<1024x2560xi32>
    %convert_element_type3A_113 = arith.sitofp %convert_element_type3A_112 : vector<1024x2560xi32> to vector<1024x2560xf32>
    %convert_element_type3A_114 = arith.truncf %convert_element_type3A_113 : vector<1024x2560xf32> to vector<1024x2560xbf16>
    %get3A_115 = arith.constant 7168 : index
    %get3A_116 = arith.constant 0 : index
    %get3A_117 = vector.load %arg8[%get3A_115, %get3A_116] : memref<10240x32xbf16, #tpu.memory_space<vmem>>, vector<1024x32xbf16>
    %dot_general3A_118 = arith.constant dense<0.000000e+00> : vector<2560x32xf32>
    %dot_general3A_119 = tpu.matmul %convert_element_type3A_114, %get3A_117, %dot_general3A_118 {dimension_numbers = #tpu.dot_dimension_numbers<[0], [0], [1], [1], [0, 1, 1, 1], [], []>, transpose_lhs_hint = false} : vector<1024x2560xbf16>, vector<1024x32xbf16>, vector<2560x32xf32> -> vector<2560x32xf32>
    %add3A_120 = arith.addf %add3A_106, %dot_general3A_119 : vector<2560x32xf32>
    %sub3A_121 = arith.constant 8192 : i32
    %sub3A_122 = vector.broadcast %sub3A_121 : i32 to vector<1x2560xi32>
    %sub3A_123 = arith.subi %get3A_5, %sub3A_122 : vector<1x2560xi32>
    %eq3A_124 = vector.broadcast %sub3A_123 : vector<1x2560xi32> to vector<1024x2560xi32>
    %eq3A_125 = arith.cmpi eq, %eq3A_124, %iota3A : vector<1024x2560xi32>
    %convert_element_type3A_126 = arith.extui %eq3A_125 : vector<1024x2560xi1> to vector<1024x2560xi32>
    %convert_element_type3A_127 = arith.sitofp %convert_element_type3A_126 : vector<1024x2560xi32> to vector<1024x2560xf32>
    %convert_element_type3A_128 = arith.truncf %convert_element_type3A_127 : vector<1024x2560xf32> to vector<1024x2560xbf16>
    %get3A_129 = arith.constant 8192 : index
    %get3A_130 = arith.constant 0 : index
    %get3A_131 = vector.load %arg8[%get3A_129, %get3A_130] : memref<10240x32xbf16, #tpu.memory_space<vmem>>, vector<1024x32xbf16>
    %dot_general3A_132 = arith.constant dense<0.000000e+00> : vector<2560x32xf32>
    %dot_general3A_133 = tpu.matmul %convert_element_type3A_128, %get3A_131, %dot_general3A_132 {dimension_numbers = #tpu.dot_dimension_numbers<[0], [0], [1], [1], [0, 1, 1, 1], [], []>, transpose_lhs_hint = false} : vector<1024x2560xbf16>, vector<1024x32xbf16>, vector<2560x32xf32> -> vector<2560x32xf32>
    %add3A_134 = arith.addf %add3A_120, %dot_general3A_133 : vector<2560x32xf32>
    %sub3A_135 = arith.constant 9216 : i32
    %sub3A_136 = vector.broadcast %sub3A_135 : i32 to vector<1x2560xi32>
    %sub3A_137 = arith.subi %get3A_5, %sub3A_136 : vector<1x2560xi32>
    %eq3A_138 = vector.broadcast %sub3A_137 : vector<1x2560xi32> to vector<1024x2560xi32>
    %eq3A_139 = arith.cmpi eq, %eq3A_138, %iota3A : vector<1024x2560xi32>
    %convert_element_type3A_140 = arith.extui %eq3A_139 : vector<1024x2560xi1> to vector<1024x2560xi32>
    %convert_element_type3A_141 = arith.sitofp %convert_element_type3A_140 : vector<1024x2560xi32> to vector<1024x2560xf32>
    %convert_element_type3A_142 = arith.truncf %convert_element_type3A_141 : vector<1024x2560xf32> to vector<1024x2560xbf16>
    %get3A_143 = arith.constant 9216 : index
    %get3A_144 = arith.constant 0 : index
    %get3A_145 = vector.load %arg8[%get3A_143, %get3A_144] : memref<10240x32xbf16, #tpu.memory_space<vmem>>, vector<1024x32xbf16>
    %dot_general3A_146 = arith.constant dense<0.000000e+00> : vector<2560x32xf32>
    %dot_general3A_147 = tpu.matmul %convert_element_type3A_142, %get3A_145, %dot_general3A_146 {dimension_numbers = #tpu.dot_dimension_numbers<[0], [0], [1], [1], [0, 1, 1, 1], [], []>, transpose_lhs_hint = false} : vector<1024x2560xbf16>, vector<1024x32xbf16>, vector<2560x32xf32> -> vector<2560x32xf32>
    %add3A_148 = arith.addf %add3A_134, %dot_general3A_147 : vector<2560x32xf32>
    %convert_element_type3A_149 = arith.truncf %add3A_148 : vector<2560x32xf32> to vector<2560x32xbf16>
    %sub3A_150 = arith.constant 0 : i32
    %sub3A_151 = vector.broadcast %sub3A_150 : i32 to vector<1x2560xi32>
    %sub3A_152 = arith.subi %get3A_10, %sub3A_151 : vector<1x2560xi32>
    %eq3A_153 = vector.broadcast %sub3A_152 : vector<1x2560xi32> to vector<1024x2560xi32>
    %eq3A_154 = arith.cmpi eq, %eq3A_153, %iota3A : vector<1024x2560xi32>
    %convert_element_type3A_155 = arith.extui %eq3A_154 : vector<1024x2560xi1> to vector<1024x2560xi32>
    %convert_element_type3A_156 = arith.sitofp %convert_element_type3A_155 : vector<1024x2560xi32> to vector<1024x2560xf32>
    %convert_element_type3A_157 = arith.truncf %convert_element_type3A_156 : vector<1024x2560xf32> to vector<1024x2560xbf16>
    %get3A_158 = arith.constant 0 : index
    %get3A_159 = arith.constant 0 : index
    %get3A_160 = vector.load %arg7[%get3A_158, %get3A_159] : memref<10240x32xf32, #tpu.memory_space<vmem>>, vector<1024x32xf32>
    %dot_general3A_161 = arith.constant dense<0.000000e+00> : vector<1024x32xf32>
    %dot_general3A_162 = tpu.matmul %convert_element_type3A_157, %convert_element_type3A_149, %dot_general3A_161 {dimension_numbers = #tpu.dot_dimension_numbers<[1], [0], [0], [1], [0, 0, 1, 1], [], []>, transpose_lhs_hint = false} : vector<1024x2560xbf16>, vector<2560x32xbf16>, vector<1024x32xf32> -> vector<1024x32xf32>
    %add3A_163 = arith.addf %get3A_160, %dot_general3A_162 : vector<1024x32xf32>
    %swap3A = arith.constant 0 : index
    %swap3A_164 = arith.constant 0 : index
    %swap3A_165 = vector.load %arg7[%swap3A, %swap3A_164] : memref<10240x32xf32, #tpu.memory_space<vmem>>, vector<1024x32xf32>
    tpu.vector_store %arg7[%swap3A, %swap3A_164], %add3A_163 {strides = array<i32>} : memref<10240x32xf32, #tpu.memory_space<vmem>>, vector<1024x32xf32>,
    %sub3A_166 = arith.constant 1024 : i32
    %sub3A_167 = vector.broadcast %sub3A_166 : i32 to vector<1x2560xi32>
    %sub3A_168 = arith.subi %get3A_10, %sub3A_167 : vector<1x2560xi32>
    %eq3A_169 = vector.broadcast %sub3A_168 : vector<1x2560xi32> to vector<1024x2560xi32>
    %eq3A_170 = arith.cmpi eq, %eq3A_169, %iota3A : vector<1024x2560xi32>
    %convert_element_type3A_171 = arith.extui %eq3A_170 : vector<1024x2560xi1> to vector<1024x2560xi32>
    %convert_element_type3A_172 = arith.sitofp %convert_element_type3A_171 : vector<1024x2560xi32> to vector<1024x2560xf32>
    %convert_element_type3A_173 = arith.truncf %convert_element_type3A_172 : vector<1024x2560xf32> to vector<1024x2560xbf16>
    %get3A_174 = arith.constant 1024 : index
    %get3A_175 = arith.constant 0 : index
    %get3A_176 = vector.load %arg7[%get3A_174, %get3A_175] : memref<10240x32xf32, #tpu.memory_space<vmem>>, vector<1024x32xf32>
    %dot_general3A_177 = arith.constant dense<0.000000e+00> : vector<1024x32xf32>
    %dot_general3A_178 = tpu.matmul %convert_element_type3A_173, %convert_element_type3A_149, %dot_general3A_177 {dimension_numbers = #tpu.dot_dimension_numbers<[1], [0], [0], [1], [0, 0, 1, 1], [], []>, transpose_lhs_hint = false} : vector<1024x2560xbf16>, vector<2560x32xbf16>, vector<1024x32xf32> -> vector<1024x32xf32>
    %add3A_179 = arith.addf %get3A_176, %dot_general3A_178 : vector<1024x32xf32>
    %swap3A_180 = arith.constant 1024 : index
    %swap3A_181 = arith.constant 0 : index
    %swap3A_182 = vector.load %arg7[%swap3A_180, %swap3A_181] : memref<10240x32xf32, #tpu.memory_space<vmem>>, vector<1024x32xf32>
    tpu.vector_store %arg7[%swap3A_180, %swap3A_181], %add3A_179 {strides = array<i32>} : memref<10240x32xf32, #tpu.memory_space<vmem>>, vector<1024x32xf32>,
    %sub3A_183 = arith.constant 2048 : i32
    %sub3A_184 = vector.broadcast %sub3A_183 : i32 to vector<1x2560xi32>
    %sub3A_185 = arith.subi %get3A_10, %sub3A_184 : vector<1x2560xi32>
    %eq3A_186 = vector.broadcast %sub3A_185 : vector<1x2560xi32> to vector<1024x2560xi32>
    %eq3A_187 = arith.cmpi eq, %eq3A_186, %iota3A : vector<1024x2560xi32>
    %convert_element_type3A_188 = arith.extui %eq3A_187 : vector<1024x2560xi1> to vector<1024x2560xi32>
    %convert_element_type3A_189 = arith.sitofp %convert_element_type3A_188 : vector<1024x2560xi32> to vector<1024x2560xf32>
    %convert_element_type3A_190 = arith.truncf %convert_element_type3A_189 : vector<1024x2560xf32> to vector<1024x2560xbf16>
    %get3A_191 = arith.constant 2048 : index
    %get3A_192 = arith.constant 0 : index
    %get3A_193 = vector.load %arg7[%get3A_191, %get3A_192] : memref<10240x32xf32, #tpu.memory_space<vmem>>, vector<1024x32xf32>
    %dot_general3A_194 = arith.constant dense<0.000000e+00> : vector<1024x32xf32>
    %dot_general3A_195 = tpu.matmul %convert_element_type3A_190, %convert_element_type3A_149, %dot_general3A_194 {dimension_numbers = #tpu.dot_dimension_numbers<[1], [0], [0], [1], [0, 0, 1, 1], [], []>, transpose_lhs_hint = false} : vector<1024x2560xbf16>, vector<2560x32xbf16>, vector<1024x32xf32> -> vector<1024x32xf32>
    %add3A_196 = arith.addf %get3A_193, %dot_general3A_195 : vector<1024x32xf32>
    %swap3A_197 = arith.constant 2048 : index
    %swap3A_198 = arith.constant 0 : index
    %swap3A_199 = vector.load %arg7[%swap3A_197, %swap3A_198] : memref<10240x32xf32, #tpu.memory_space<vmem>>, vector<1024x32xf32>
    tpu.vector_store %arg7[%swap3A_197, %swap3A_198], %add3A_196 {strides = array<i32>} : memref<10240x32xf32, #tpu.memory_space<vmem>>, vector<1024x32xf32>,
    %sub3A_200 = arith.constant 3072 : i32
    %sub3A_201 = vector.broadcast %sub3A_200 : i32 to vector<1x2560xi32>
    %sub3A_202 = arith.subi %get3A_10, %sub3A_201 : vector<1x2560xi32>
    %eq3A_203 = vector.broadcast %sub3A_202 : vector<1x2560xi32> to vector<1024x2560xi32>
    %eq3A_204 = arith.cmpi eq, %eq3A_203, %iota3A : vector<1024x2560xi32>
    %convert_element_type3A_205 = arith.extui %eq3A_204 : vector<1024x2560xi1> to vector<1024x2560xi32>
    %convert_element_type3A_206 = arith.sitofp %convert_element_type3A_205 : vector<1024x2560xi32> to vector<1024x2560xf32>
    %convert_element_type3A_207 = arith.truncf %convert_element_type3A_206 : vector<1024x2560xf32> to vector<1024x2560xbf16>
    %get3A_208 = arith.constant 3072 : index
    %get3A_209 = arith.constant 0 : index
    %get3A_210 = vector.load %arg7[%get3A_208, %get3A_209] : memref<10240x32xf32, #tpu.memory_space<vmem>>, vector<1024x32xf32>
    %dot_general3A_211 = arith.constant dense<0.000000e+00> : vector<1024x32xf32>
    %dot_general3A_212 = tpu.matmul %convert_element_type3A_207, %convert_element_type3A_149, %dot_general3A_211 {dimension_numbers = #tpu.dot_dimension_numbers<[1], [0], [0], [1], [0, 0, 1, 1], [], []>, transpose_lhs_hint = false} : vector<1024x2560xbf16>, vector<2560x32xbf16>, vector<1024x32xf32> -> vector<1024x32xf32>
    %add3A_213 = arith.addf %get3A_210, %dot_general3A_212 : vector<1024x32xf32>
    %swap3A_214 = arith.constant 3072 : index
    %swap3A_215 = arith.constant 0 : index
    %swap3A_216 = vector.load %arg7[%swap3A_214, %swap3A_215] : memref<10240x32xf32, #tpu.memory_space<vmem>>, vector<1024x32xf32>
    tpu.vector_store %arg7[%swap3A_214, %swap3A_215], %add3A_213 {strides = array<i32>} : memref<10240x32xf32, #tpu.memory_space<vmem>>, vector<1024x32xf32>,
    %sub3A_217 = arith.constant 4096 : i32
    %sub3A_218 = vector.broadcast %sub3A_217 : i32 to vector<1x2560xi32>
    %sub3A_219 = arith.subi %get3A_10, %sub3A_218 : vector<1x2560xi32>
    %eq3A_220 = vector.broadcast %sub3A_219 : vector<1x2560xi32> to vector<1024x2560xi32>
    %eq3A_221 = arith.cmpi eq, %eq3A_220, %iota3A : vector<1024x2560xi32>
    %convert_element_type3A_222 = arith.extui %eq3A_221 : vector<1024x2560xi1> to vector<1024x2560xi32>
    %convert_element_type3A_223 = arith.sitofp %convert_element_type3A_222 : vector<1024x2560xi32> to vector<1024x2560xf32>
    %convert_element_type3A_224 = arith.truncf %convert_element_type3A_223 : vector<1024x2560xf32> to vector<1024x2560xbf16>
    %get3A_225 = arith.constant 4096 : index
    %get3A_226 = arith.constant 0 : index
    %get3A_227 = vector.load %arg7[%get3A_225, %get3A_226] : memref<10240x32xf32, #tpu.memory_space<vmem>>, vector<1024x32xf32>
    %dot_general3A_228 = arith.constant dense<0.000000e+00> : vector<1024x32xf32>
    %dot_general3A_229 = tpu.matmul %convert_element_type3A_224, %convert_element_type3A_149, %dot_general3A_228 {dimension_numbers = #tpu.dot_dimension_numbers<[1], [0], [0], [1], [0, 0, 1, 1], [], []>, transpose_lhs_hint = false} : vector<1024x2560xbf16>, vector<2560x32xbf16>, vector<1024x32xf32> -> vector<1024x32xf32>
    %add3A_230 = arith.addf %get3A_227, %dot_general3A_229 : vector<1024x32xf32>
    %swap3A_231 = arith.constant 4096 : index
    %swap3A_232 = arith.constant 0 : index
    %swap3A_233 = vector.load %arg7[%swap3A_231, %swap3A_232] : memref<10240x32xf32, #tpu.memory_space<vmem>>, vector<1024x32xf32>
    tpu.vector_store %arg7[%swap3A_231, %swap3A_232], %add3A_230 {strides = array<i32>} : memref<10240x32xf32, #tpu.memory_space<vmem>>, vector<1024x32xf32>,
    %sub3A_234 = arith.constant 5120 : i32
    %sub3A_235 = vector.broadcast %sub3A_234 : i32 to vector<1x2560xi32>
    %sub3A_236 = arith.subi %get3A_10, %sub3A_235 : vector<1x2560xi32>
    %eq3A_237 = vector.broadcast %sub3A_236 : vector<1x2560xi32> to vector<1024x2560xi32>
    %eq3A_238 = arith.cmpi eq, %eq3A_237, %iota3A : vector<1024x2560xi32>
    %convert_element_type3A_239 = arith.extui %eq3A_238 : vector<1024x2560xi1> to vector<1024x2560xi32>
    %convert_element_type3A_240 = arith.sitofp %convert_element_type3A_239 : vector<1024x2560xi32> to vector<1024x2560xf32>
    %convert_element_type3A_241 = arith.truncf %convert_element_type3A_240 : vector<1024x2560xf32> to vector<1024x2560xbf16>
    %get3A_242 = arith.constant 5120 : index
    %get3A_243 = arith.constant 0 : index
    %get3A_244 = vector.load %arg7[%get3A_242, %get3A_243] : memref<10240x32xf32, #tpu.memory_space<vmem>>, vector<1024x32xf32>
    %dot_general3A_245 = arith.constant dense<0.000000e+00> : vector<1024x32xf32>
    %dot_general3A_246 = tpu.matmul %convert_element_type3A_241, %convert_element_type3A_149, %dot_general3A_245 {dimension_numbers = #tpu.dot_dimension_numbers<[1], [0], [0], [1], [0, 0, 1, 1], [], []>, transpose_lhs_hint = false} : vector<1024x2560xbf16>, vector<2560x32xbf16>, vector<1024x32xf32> -> vector<1024x32xf32>
    %add3A_247 = arith.addf %get3A_244, %dot_general3A_246 : vector<1024x32xf32>
    %swap3A_248 = arith.constant 5120 : index
    %swap3A_249 = arith.constant 0 : index
    %swap3A_250 = vector.load %arg7[%swap3A_248, %swap3A_249] : memref<10240x32xf32, #tpu.memory_space<vmem>>, vector<1024x32xf32>
    tpu.vector_store %arg7[%swap3A_248, %swap3A_249], %add3A_247 {strides = array<i32>} : memref<10240x32xf32, #tpu.memory_space<vmem>>, vector<1024x32xf32>,
    %sub3A_251 = arith.constant 6144 : i32
    %sub3A_252 = vector.broadcast %sub3A_251 : i32 to vector<1x2560xi32>
    %sub3A_253 = arith.subi %get3A_10, %sub3A_252 : vector<1x2560xi32>
    %eq3A_254 = vector.broadcast %sub3A_253 : vector<1x2560xi32> to vector<1024x2560xi32>
    %eq3A_255 = arith.cmpi eq, %eq3A_254, %iota3A : vector<1024x2560xi32>
    %convert_element_type3A_256 = arith.extui %eq3A_255 : vector<1024x2560xi1> to vector<1024x2560xi32>
    %convert_element_type3A_257 = arith.sitofp %convert_element_type3A_256 : vector<1024x2560xi32> to vector<1024x2560xf32>
    %convert_element_type3A_258 = arith.truncf %convert_element_type3A_257 : vector<1024x2560xf32> to vector<1024x2560xbf16>
    %get3A_259 = arith.constant 6144 : index
    %get3A_260 = arith.constant 0 : index
    %get3A_261 = vector.load %arg7[%get3A_259, %get3A_260] : memref<10240x32xf32, #tpu.memory_space<vmem>>, vector<1024x32xf32>
    %dot_general3A_262 = arith.constant dense<0.000000e+00> : vector<1024x32xf32>
    %dot_general3A_263 = tpu.matmul %convert_element_type3A_258, %convert_element_type3A_149, %dot_general3A_262 {dimension_numbers = #tpu.dot_dimension_numbers<[1], [0], [0], [1], [0, 0, 1, 1], [], []>, transpose_lhs_hint = false} : vector<1024x2560xbf16>, vector<2560x32xbf16>, vector<1024x32xf32> -> vector<1024x32xf32>
    %add3A_264 = arith.addf %get3A_261, %dot_general3A_263 : vector<1024x32xf32>
    %swap3A_265 = arith.constant 6144 : index
    %swap3A_266 = arith.constant 0 : index
    %swap3A_267 = vector.load %arg7[%swap3A_265, %swap3A_266] : memref<10240x32xf32, #tpu.memory_space<vmem>>, vector<1024x32xf32>
    tpu.vector_store %arg7[%swap3A_265, %swap3A_266], %add3A_264 {strides = array<i32>} : memref<10240x32xf32, #tpu.memory_space<vmem>>, vector<1024x32xf32>,
    %sub3A_268 = arith.constant 7168 : i32
    %sub3A_269 = vector.broadcast %sub3A_268 : i32 to vector<1x2560xi32>
    %sub3A_270 = arith.subi %get3A_10, %sub3A_269 : vector<1x2560xi32>
    %eq3A_271 = vector.broadcast %sub3A_270 : vector<1x2560xi32> to vector<1024x2560xi32>
    %eq3A_272 = arith.cmpi eq, %eq3A_271, %iota3A : vector<1024x2560xi32>
    %convert_element_type3A_273 = arith.extui %eq3A_272 : vector<1024x2560xi1> to vector<1024x2560xi32>
    %convert_element_type3A_274 = arith.sitofp %convert_element_type3A_273 : vector<1024x2560xi32> to vector<1024x2560xf32>
    %convert_element_type3A_275 = arith.truncf %convert_element_type3A_274 : vector<1024x2560xf32> to vector<1024x2560xbf16>
    %get3A_276 = arith.constant 7168 : index
    %get3A_277 = arith.constant 0 : index
    %get3A_278 = vector.load %arg7[%get3A_276, %get3A_277] : memref<10240x32xf32, #tpu.memory_space<vmem>>, vector<1024x32xf32>
    %dot_general3A_279 = arith.constant dense<0.000000e+00> : vector<1024x32xf32>
    %dot_general3A_280 = tpu.matmul %convert_element_type3A_275, %convert_element_type3A_149, %dot_general3A_279 {dimension_numbers = #tpu.dot_dimension_numbers<[1], [0], [0], [1], [0, 0, 1, 1], [], []>, transpose_lhs_hint = false} : vector<1024x2560xbf16>, vector<2560x32xbf16>, vector<1024x32xf32> -> vector<1024x32xf32>
    %add3A_281 = arith.addf %get3A_278, %dot_general3A_280 : vector<1024x32xf32>
    %swap3A_282 = arith.constant 7168 : index
    %swap3A_283 = arith.constant 0 : index
    %swap3A_284 = vector.load %arg7[%swap3A_282, %swap3A_283] : memref<10240x32xf32, #tpu.memory_space<vmem>>, vector<1024x32xf32>
    tpu.vector_store %arg7[%swap3A_282, %swap3A_283], %add3A_281 {strides = array<i32>} : memref<10240x32xf32, #tpu.memory_space<vmem>>, vector<1024x32xf32>,
    %sub3A_285 = arith.constant 8192 : i32
    %sub3A_286 = vector.broadcast %sub3A_285 : i32 to vector<1x2560xi32>
    %sub3A_287 = arith.subi %get3A_10, %sub3A_286 : vector<1x2560xi32>
    %eq3A_288 = vector.broadcast %sub3A_287 : vector<1x2560xi32> to vector<1024x2560xi32>
    %eq3A_289 = arith.cmpi eq, %eq3A_288, %iota3A : vector<1024x2560xi32>
    %convert_element_type3A_290 = arith.extui %eq3A_289 : vector<1024x2560xi1> to vector<1024x2560xi32>
    %convert_element_type3A_291 = arith.sitofp %convert_element_type3A_290 : vector<1024x2560xi32> to vector<1024x2560xf32>
    %convert_element_type3A_292 = arith.truncf %convert_element_type3A_291 : vector<1024x2560xf32> to vector<1024x2560xbf16>
    %get3A_293 = arith.constant 8192 : index
    %get3A_294 = arith.constant 0 : index
    %get3A_295 = vector.load %arg7[%get3A_293, %get3A_294] : memref<10240x32xf32, #tpu.memory_space<vmem>>, vector<1024x32xf32>
    %dot_general3A_296 = arith.constant dense<0.000000e+00> : vector<1024x32xf32>
    %dot_general3A_297 = tpu.matmul %convert_element_type3A_292, %convert_element_type3A_149, %dot_general3A_296 {dimension_numbers = #tpu.dot_dimension_numbers<[1], [0], [0], [1], [0, 0, 1, 1], [], []>, transpose_lhs_hint = false} : vector<1024x2560xbf16>, vector<2560x32xbf16>, vector<1024x32xf32> -> vector<1024x32xf32>
    %add3A_298 = arith.addf %get3A_295, %dot_general3A_297 : vector<1024x32xf32>
    %swap3A_299 = arith.constant 8192 : index
    %swap3A_300 = arith.constant 0 : index
    %swap3A_301 = vector.load %arg7[%swap3A_299, %swap3A_300] : memref<10240x32xf32, #tpu.memory_space<vmem>>, vector<1024x32xf32>
    tpu.vector_store %arg7[%swap3A_299, %swap3A_300], %add3A_298 {strides = array<i32>} : memref<10240x32xf32, #tpu.memory_space<vmem>>, vector<1024x32xf32>,
    %sub3A_302 = arith.constant 9216 : i32
    %sub3A_303 = vector.broadcast %sub3A_302 : i32 to vector<1x2560xi32>
    %sub3A_304 = arith.subi %get3A_10, %sub3A_303 : vector<1x2560xi32>
    %eq3A_305 = vector.broadcast %sub3A_304 : vector<1x2560xi32> to vector<1024x2560xi32>
    %eq3A_306 = arith.cmpi eq, %eq3A_305, %iota3A : vector<1024x2560xi32>
    %convert_element_type3A_307 = arith.extui %eq3A_306 : vector<1024x2560xi1> to vector<1024x2560xi32>
    %convert_element_type3A_308 = arith.sitofp %convert_element_type3A_307 : vector<1024x2560xi32> to vector<1024x2560xf32>
    %convert_element_type3A_309 = arith.truncf %convert_element_type3A_308 : vector<1024x2560xf32> to vector<1024x2560xbf16>
    %get3A_310 = arith.constant 9216 : index
    %get3A_311 = arith.constant 0 : index
    %get3A_312 = vector.load %arg7[%get3A_310, %get3A_311] : memref<10240x32xf32, #tpu.memory_space<vmem>>, vector<1024x32xf32>
    %dot_general3A_313 = arith.constant dense<0.000000e+00> : vector<1024x32xf32>
    %dot_general3A_314 = tpu.matmul %convert_element_type3A_309, %convert_element_type3A_149, %dot_general3A_313 {dimension_numbers = #tpu.dot_dimension_numbers<[1], [0], [0], [1], [0, 0, 1, 1], [], []>, transpose_lhs_hint = false} : vector<1024x2560xbf16>, vector<2560x32xbf16>, vector<1024x32xf32> -> vector<1024x32xf32>
    %add3A_315 = arith.addf %get3A_312, %dot_general3A_314 : vector<1024x32xf32>
    %swap3A_316 = arith.constant 9216 : index
    %swap3A_317 = arith.constant 0 : index
    %swap3A_318 = vector.load %arg7[%swap3A_316, %swap3A_317] : memref<10240x32xf32, #tpu.memory_space<vmem>>, vector<1024x32xf32>
    tpu.vector_store %arg7[%swap3A_316, %swap3A_317], %add3A_315 {strides = array<i32>} : memref<10240x32xf32, #tpu.memory_space<vmem>>, vector<1024x32xf32>,
    %eq3A_319 = arith.constant 124 : i32
    %eq3A_320 = arith.cmpi eq, %arg0, %eq3A_319 : i32
    %convert_element_type3A_321 = arith.extui %eq3A_320 : i1 to i32
    %cond3A_322 = arith.constant 0 : i32
    %cond3A_323 = arith.cmpi ne, %convert_element_type3A_321, %cond3A_322 : i32
    scf.if %cond3A_323 {
      %get3A_324 = arith.constant 0 : index
      %get3A_325 = arith.constant 0 : index
      %get3A_326 = vector.load %arg6[%get3A_324, %get3A_325] : memref<10240x1xf32, #tpu.memory_space<vmem>>, vector<10240x1xf32>
      %get3A_327 = arith.constant 0 : index
      %get3A_328 = arith.constant 0 : index
      %get3A_329 = vector.load %arg7[%get3A_327, %get3A_328] : memref<10240x32xf32, #tpu.memory_space<vmem>>, vector<10240x32xf32>
      %get3A_330 = arith.constant 0 : index
      %get3A_331 = arith.constant 0 : index
      %get3A_332 = vector.load %arg8[%get3A_330, %get3A_331] : memref<10240x32xbf16, #tpu.memory_space<vmem>>, vector<10240x32xbf16>
      %convert_element_type3A_333 = arith.extf %get3A_332 : vector<10240x32xbf16> to vector<10240x32xf32>
      %add3A_334 = arith.addf %get3A_329, %convert_element_type3A_333 : vector<10240x32xf32>
      %mul3A = vector.broadcast %get3A_326 : vector<10240x1xf32> to vector<10240x32xf32>
      %mul3A_335 = arith.mulf %mul3A, %add3A_334 : vector<10240x32xf32>
      %get3A_336 = arith.constant 0 : index
      %get3A_337 = arith.constant 0 : index
      %get3A_338 = vector.load %arg5[%get3A_336, %get3A_337] : memref<1x32xf32, #tpu.memory_space<vmem>>, vector<1x32xf32>
      %add3A_339 = vector.broadcast %get3A_338 : vector<1x32xf32> to vector<10240x32xf32>
      %add3A_340 = arith.addf %mul3A_335, %add3A_339 : vector<10240x32xf32>
      %tanh3A = math.tanh %add3A_340 : vector<10240x32xf32>
      %swap3A_341 = arith.constant 0 : index
      %swap3A_342 = arith.constant 0 : index
      %swap3A_343 = vector.load %arg7[%swap3A_341, %swap3A_342] : memref<10240x32xf32, #tpu.memory_space<vmem>>, vector<10240x32xf32>
      tpu.vector_store %arg7[%swap3A_341, %swap3A_342], %tanh3A {strides = array<i32>} : memref<10240x32xf32, #tpu.memory_space<vmem>>, vector<10240x32xf32>,
    } else {
    }
    return
  }
  func.func @transform_0(%arg0: i32) -> (i32, i32, i32) {
    %c0_i32 = arith.constant 0 : i32
    %c0_i32_0 = arith.constant 0 : i32
    %c0_i32_1 = arith.constant 0 : i32
    return %arg0, %c0_i32, %c0_i32_0 : i32, i32, i32
  }
  func.func @transform_1(%arg0: i32) -> (i32, i32, i32) {
    %c0_i32 = arith.constant 0 : i32
    %c0_i32_0 = arith.constant 0 : i32
    %c0_i32_1 = arith.constant 0 : i32
    return %arg0, %c0_i32, %c0_i32_0 : i32, i32, i32
  }
  func.func @transform_2(%arg0: i32) -> (i32, i32) {
    %c0_i32 = arith.constant 0 : i32
    %c0_i32_0 = arith.constant 0 : i32
    %c0_i32_1 = arith.constant 0 : i32
    return %c0_i32, %c0_i32_0 : i32, i32
  }
  func.func @transform_3(%arg0: i32) -> (i32, i32) {
    %c0_i32 = arith.constant 0 : i32
    %c0_i32_0 = arith.constant 0 : i32
    %c0_i32_1 = arith.constant 0 : i32
    return %c0_i32, %c0_i32_0 : i32, i32
  }
  func.func @transform_4(%arg0: i32) -> (i32, i32) {
    %c0_i32 = arith.constant 0 : i32
    %c0_i32_0 = arith.constant 0 : i32
    %c0_i32_1 = arith.constant 0 : i32
    return %c0_i32, %c0_i32_0 : i32, i32
  }
  func.func @transform_5(%arg0: i32) -> (i32, i32) {
    %c0_i32 = arith.constant 0 : i32
    %c0_i32_0 = arith.constant 0 : i32
    %c0_i32_1 = arith.constant 0 : i32
    return %c0_i32, %c0_i32_0 : i32, i32
  }
  func.func @transform_6(%arg0: i32) -> (i32, i32) {
    %c0_i32 = arith.constant 0 : i32
    %c0_i32_0 = arith.constant 0 : i32
    %c0_i32_1 = arith.constant 0 : i32
    return %c0_i32, %c0_i32_0 : i32, i32
  }
}

</mosaic_0001>

<sc_bundles>
// kernel: gather_offload_async_start.1
scs
__scs_entry_jumppad:
0x0: {  	(pc) =	sbr.rel $0x88, $3  }
0x1: {  	(tag) =	ssettag $0x0;
	lr =	simm.s32 $0x1  }
0x2: {  	[smem:$0x3F8E] =	sst lr;
	_ =	strace $0xD0000000  }
0x3: {  	_ = 	snop  }
0x4: {  	_ = 	snop  }
0x5: {  	_ = 	snop  }
0x6: {  	_ = 	snop  }
0x7: {  	_ = 	snop  }
__scs_overlays_trampoline_lowered:
0x8: {  	[smem:$0x3F9D] =	sst s0  }
0x9: {  	[smem:$0x3F9E] =	sst s1  }
0xa: {  	[smem:$0x3F9F] =	sst s2  }
0xb: {  	[smem:$0x3FA0] =	sst s3  }
0xc: {  	[smem:$0x3FA1] =	sst s4  }
0xd: {  	[smem:$0x3FA2] =	sst s5  }
0xe: {  	[smem:$0x3FA3] =	sst s6  }
0xf: {  	[smem:$0x3FA4] =	sst s7  }
0x10: {  	[smem:$0x3FA5] =	sst s8  }
0x11: {  	[smem:$0x3FA6] =	sst s9;
	s0 =	simm.s32 @!p0 $0x0  }
0x12: {  	s1 =	sld [smem:$0x3F8C];
	s0 =	simm.s32 @p0 $0x1  }
0x13: {  	[smem:$0x3FA7] =	sst s0;
	s0 =	simm.s32 @!p1 $0x0  }
0x14: {  	s2 =	sld [smem:$0x3F8B];
	s0 =	simm.s32 @p1 $0x1  }
0x15: {  	[smem:$0x3FA8] =	sst s0;
	s0 =	simm.s32 @!p2 $0x0  }
0x16: {  	s3 =	sld [smem:$0x3FDB];
	s0 =	simm.s32 @p2 $0x1  }
0x17: {  	s4 =	simm.s32 $0x1BF5;
	[smem:$0x3FAA] =	sst s0  }
0x18: {  	s0 =	sld [smem:$0x3F8D];
	_ =	swait.ge [sflag:s4], $0x0  }
0x19: {  	s7 =	sld [smem:$0x3F8E]  }
0x1a: {  	s8 =	sadd.s32 $0xFFFFE003, lr  }
0x1b: {  	s9 =	sadd.s32 $0xFFFFFEF7, lr;
	s5 =	simm.s32 $0xFFFFFFFF;
	p2 =	slt.u32 s8, $0xFFFFF086  }
0x1c: {  	p1 =	slt.u32 s9, $0xF7A;
	s5 =	simm.s32 @!p2 $0x0  }
0x1d: {  	s5 =	simm.s32 @p1 $0x1;
	p0 =	seq.s32 s7, s2  }
0x1e: {  	s7 =	smul.u32 @!p0 $0xF7A, s2;
	p2 =	seq.s32 @!p0 s5, $0x0  }
0x1f: {  	s9 =	smul.u32 $0xF7A, s1;
	s8 =	simm.s32 @!p0 $0x1BF5;
	p2 =	por !p2, p0  }
0x20: {  	[sflag:s8] =	ssyncset.s32 @!p0 $0xFFFFF086;
	s6 =	sadd.s32 @!p0 s3, s7;
	s7 =	simm.s32 @!p0 $0x108  }
0x21: {  	s3 =	sadd.s32 s3, s9;
	s6 =	sadd.s32 @!p0 $0x88, s6;
	s7 =	simm.s32 @p2 $0x1082  }
0x22: {  	[simem:s7], [sflag:s8] =	dma.local @!p0 [hbm:s6], $0xF7A  }
0x23: {  	s9 =	sor.u32 $0xD0000000, s2;
	s6 =	simm.s32 $0x108;
	_ =	swait.ge @!p0 [sflag:s8], $0x0  }
0x24: {  	s3 =	sadd.s32 $0x88, s3;
	s6 =	simm.s32 @!p1 $0x1082;
	[sflag:s4] =	ssyncset.s32 $0xFFFFF086  }
0x25: {  	[simem:s6], [sflag:s4] =	dma.local [hbm:s3], $0xF7A  }
0x26: {  	[smem:$0x3F8E] =	sst s1;
	(tag) =	ssettag s2;
	_ =	strace s9  }
0x27: {  	s1 =	sld [smem:$0x3F9E]  }
0x28: {  	s2 =	sld [smem:$0x3F9F]  }
0x29: {  	s4 =	sld [smem:$0x3FA1]  }
0x2a: {  	p0 =	seq.s32 s5, $0x0;
	s5 =	sld [smem:$0x3FA2]  }
0x2b: {  	s6 =	sld [smem:$0x3FA3]  }
0x2c: {  	s7 =	sld [smem:$0x3FA4]  }
0x2d: {  	s3 =	simm.s32 $0x108;
	s8 =	sld [smem:$0x3FA5]  }
0x2e: {  	s3 =	simm.s32 @!p0 $0x1082;
	s9 =	sld [smem:$0x3FA6]  }
0x2f: {  	lr =	sadd.s32 s0, s3;
	s0 =	sld [smem:$0x3F9D]  }
0x30: {  	s3 =	sld [smem:$0x3FA0]  }
0x31: {  	[smem:$0x3FA9] =	sst s10  }
0x32: {  	s10 =	sld [smem:$0x3FA7];
	_ =	sdelay $0x3  }
0x33: {  	p0 =	seq.s32 s10, $0x1;
	s10 =	sld [smem:$0x3FA9];
	_ =	sdelay $0x3  }
0x34: {  	[smem:$0x3FA9] =	sst s10  }
0x35: {  	s10 =	sld [smem:$0x3FA8];
	_ =	sdelay $0x3  }
0x36: {  	p1 =	seq.s32 s10, $0x1;
	s10 =	sld [smem:$0x3FA9];
	_ =	sdelay $0x3  }
0x37: {  	[smem:$0x3FA9] =	sst s10  }
0x38: {  	s10 =	sld [smem:$0x3FAA]  }
0x39: {  	_ = 	snop;
	(pc) =	sbr.ind lr, $3  }
0x3a: {  	_ = 	snop  }
0x3b: {  	_ = 	snop  }
0x3c: {  	p2 =	seq.s32 s10, $0x1;
	s10 =	sld [smem:$0x3FA9]  }
0x3d: {  	_ =	shalt  }
0x3e: {  	_ =	shalt  }
0x3f: {  	_ =	shalt  }
0x40: {  	_ =	shalt  }
0x41: {  	_ =	shalt  }
0x42: {  	_ =	shalt  }
0x43: {  	_ =	shalt  }
0x44: {  	_ =	shalt  }
0x45: {  	_ =	shalt  }
0x46: {  	_ =	shalt  }
0x47: {  	_ =	shalt  }
0x48: {  	_ =	shalt  }
0x49: {  	_ =	shalt  }
0x4a: {  	_ =	shalt  }
0x4b: {  	_ =	shalt  }
0x4c: {  	_ =	shalt  }
0x4d: {  	_ =	shalt  }
0x4e: {  	_ =	shalt  }
0x4f: {  	_ =	shalt  }
0x50: {  	_ =	shalt  }
0x51: {  	_ =	shalt  }
0x52: {  	_ =	shalt  }
0x53: {  	_ =	shalt  }
0x54: {  	_ =	shalt  }
0x55: {  	_ =	shalt  }
0x56: {  	_ =	shalt  }
0x57: {  	_ =	shalt  }
0x58: {  	_ =	shalt  }
0x59: {  	_ =	shalt  }
0x5a: {  	_ =	shalt  }
0x5b: {  	_ =	shalt  }
0x5c: {  	_ =	shalt  }
0x5d: {  	_ =	shalt  }
0x5e: {  	_ =	shalt  }
0x5f: {  	_ =	shalt  }
0x60: {  	_ =	shalt  }
0x61: {  	_ =	shalt  }
0x62: {  	_ =	shalt  }
0x63: {  	_ =	shalt  }
0x64: {  	_ =	shalt  }
0x65: {  	_ =	shalt  }
0x66: {  	_ =	shalt  }
0x67: {  	_ =	shalt  }
0x68: {  	_ =	shalt  }
0x69: {  	_ =	shalt  }
0x6a: {  	_ =	shalt  }
0x6b: {  	_ =	shalt  }
0x6c: {  	_ =	shalt  }
0x6d: {  	_ =	shalt  }
0x6e: {  	_ =	shalt  }
0x6f: {  	_ =	shalt  }
0x70: {  	_ =	shalt  }
0x71: {  	_ =	shalt  }
0x72: {  	_ =	shalt  }
0x73: {  	_ =	shalt  }
0x74: {  	_ =	shalt  }
0x75: {  	_ =	shalt  }
0x76: {  	_ =	shalt  }
0x77: {  	_ =	shalt  }
0x78: {  	_ =	shalt  }
0x79: {  	_ =	shalt  }
0x7a: {  	_ =	shalt  }
0x7b: {  	_ =	shalt  }
0x7c: {  	_ =	shalt  }
0x7d: {  	_ =	shalt  }
0x7e: {  	_ =	shalt  }
0x7f: {  	_ =	shalt  }
0x80: {  	_ =	shalt  }
0x81: {  	_ =	shalt  }
0x82: {  	_ =	shalt  }
0x83: {  	_ =	shalt  }
0x84: {  	_ =	shalt  }
0x85: {  	_ =	shalt  }
0x86: {  	_ =	shalt  }
0x87: {  	_ =	shalt  }
.Lfunc_end0:
.L_simem_size_0:
called_computation.2_lowered:
.L_overlay_start_0:
0x88: {  	s2 =	sld [smem:$0x3FD9]  }
0x89: {  	s3 =	sld [smem:$0x3FFE];
	_ =	sdelay $0x1  }
0x8a: {  	s1 =	srdreg.scid  }
0x8b: {  	s0 =	sand.u32 $0x1, s1  }
0x8c: {  	s16 =	sshll.u32 s0, $0xA;
	s2 =	sadd.s32 s3, s2  }
0x8d: {  	s2 =	sadd.s32 s2, s16  }
0x8e: {  	[smem:$0x3FB5] =	sst s2  }
0x8f: {  	_ = 	snop  }
0x90: {  	(tm) =	ssettm $0x1  }
0x91: {  	s17 =	sld [smem:$0x3FFB];
	_ =	sdelay $0x3  }
0x92: {  	_ =	strace s17  }
0x93: {  	s2 =	sld [smem:$0x3FFC];
	_ =	sdelay $0x3  }
0x94: {  	_ =	strace s2  }
0x95: {  	s2 =	sld [smem:$0x3FFD];
	_ =	sdelay $0x3  }
0x96: {  	_ =	strace s2  }
0x97: {  	_ =	strace $0x8FFFFFFF  }
0x98: {  	s18 =	sld [smem:$0x3FDB];
	_ =	sdelay $0x1  }
0x99: {  	s19 =	simm.s32 $_scs_section_size  }
0x9a: {  	s4 =	simm.s32 $_size__tile_overlayer_lowered;
	s5 =	simm.s32 $_tile_overlayer_lowered  }
0x9b: {  	s22 =	simm.s32 $0x1BFF;
	s21 =	sshll.u32 s5, $0x1;
	s2 =	sadd.s32 s19, s18  }
0x9c: {  	s6 =	simm.s32 $0x0;
	s20 =	sshll.u32 s4, $0x1;
	s4 =	sadd.s32 s21, s2  }
0x9d: {  	[timem:s6], [sflag:s22] =	dma.local [hbm:s4], s20  }
0x9e: {  	_ =	swait.ge [sflag:s22], s20  }
0x9f: {  	s3 =	ssub.s32 $0x0, s20;
	[sflag:s22] =	ssyncset.done $0x0  }
0xa0: {  	[sflag:s22] =	ssyncadd.s32 s3;
	_ =	sdelay $0x1  }
0xa1: {  	s23 =	simm.s32 $0x1B8B  }
0xa2: {  	_ =	swait.ge [sflag:s23], $0x1  }
0xa3: {  	[sflag:s23] =	ssyncset.done $0x0  }
0xa4: {  	s25 =	simm.s32 $0x1B8E;
	s24 =	sld [smem:$0x3FFE];
	[sflag:s23] =	ssyncadd.s32 $0xFFFFFFFF  }
0xa5: {  	s26 =	simm.s32 $execute0_lowered;
	[smem:$0x3FD2] =	sst s25  }
0xa6: {  	s4 =	sshll.u32 s26, $0x1;
	_ =	strace $0x8000004C;
	[dreg:$0x1] =	wrdreg $0xFFFFFFFF  }
0xa7: {  	s28 =	simm.s32 $_size_execute0_lowered;
	s2 =	sadd.s32 s2, s4;
	[dreg:$0x0] =	wrdreg $0x0  }
0xa8: {  	s4 =	sshll.u32 s28, $0x1;
	[dreg:$0x2] =	wrdreg s2  }
0xa9: {  	[dreg:$0x3] =	wrdreg s4  }
0xaa: {  	[dreg:$0x4] =	wrdreg $0xC0  }
0xab: {  	_ =	task [dreg:s6], $0x5FFFF  }
0xac: {  	[dreg:$0x1] =	wrdreg $0xFFFFFFFF  }
0xad: {  	[dreg:$0x0] =	wrdreg $0x60  }
0xae: {  	[dreg:$0x2] =	wrdreg s24  }
0xaf: {  	[dreg:$0x3] =	wrdreg $0x9  }
0xb0: {  	_ =	task.clear_ibuf [dreg:s6], $0x4FFFF;
	_ =	strace $0x9000004C  }
0xb1: {  	s29 =	simm.s32 $0x9;
	_ =	strace $0x8000004E  }
0xb2: {  	_ =	swait.ge [sflag:s29], $0x1  }
0xb3: {  	[sflag:s29] =	ssyncadd.s32 $0xFFFFFFFF  }
0xb4: {  	_ =	strace $0x9000004E  }
0xb5: {  	_ =	sfence  }
0xb6: {  	s30 =	sld [smem:$0x0];
	_ =	sdelay $0x2  }
0xb7: {  	s31 =	sshll.u32 s1, $0xD;
	s1 =	sshrl.u32 s1, $0x2  }
0xb8: {  	s3 =	sand.u32 $0x4000, s31;
	s1 =	sadd.s32 s1, s30  }
0xb9: {  	s0 =	sor.u32 s3, s0;
	s1 =	sshll.u32 s1, $0x11  }
0xba: {  	s0 =	sor.u32 s1, s0  }
0xbb: {  	s0 =	sadd.s32 $0x8F2B, s0  }
0xbc: {  	[sflag:s0] =	ssyncadd.remote.s32 $0x1  }
0xbd: {  	_ =	sfence.sel $0xFFFF  }
0xbe: {  	[dreg:$0x0] =	wrdreg $0xFFFFFFFF;
	(pc) =	sbr.abs _section_cstart, $3  }
0xbf: {  	[dreg:$0x1] =	wrdreg $0xFFFFFFFF  }
0xc0: {  	_ =	task.clear_ibuf [dreg:s6], $0x2FFFF;
	_ =	strace $0x9FFFFFFF  }
0xc1: {  	(tm) =	ssettm $0x7FFFFFFF  }
tec
execute0_lowered:
.L_overlay_start_1:
0x0: {  	(tag) =	ssettag $0x1  }
0x1: {  	s0 =	srdreg.scid  }
0x2: {  	s1 =	sshll.u32 s0, $0x4  }
0x3: {  	s0 =	stileid.u32;
	s1 =	sand.u32 $0x10, s1  }
0x4: {  	s2 =	sor.u32 s0, s1  }
0x5: {  	s3 =	smin.u32 s2, $0x10  }
0x6: {  	s1 =	sshrl.u32 s1, $0x4;
	s2 =	sadd.s32 s2, s3  }
0x7: {  	s1 =	ssub.s32 s2, s1  }
0x8: {  	s1 =	smul.u32 $0x28, s1;
	_ =	sdelay $0x1  }
0x9: {  	s2 =	smul.u32 $0x28, s2;
	s1 =	sadd.s32 $0x50, s1  }
0xa: {  	s3 =	smin.u32 s1, $0x780  }
0xb: {  	s7 =	ssub.s32 s3, s2  }
0xc: {  	p0 =	sgt.s32 s7, $0x0  }
0xd: {  	s7 =	simm.s32 @!p0 $0x0  }
0xe: {  	s31 =	smul.u32 $0xCCCD, s7  }
0xf: {  	s4 =	rddreg [dreg:$0x0];
	s6 =	simm.s32 $0x1  }
0x10: {  	s10 =	simm.s32 $0x3;
	s13 =	simm.s32 $0x0;
	s8 =	sshrl.u32 s31, $0x15  }
0x11: {  	s12 =	simm.s32 $0x0;
	s5 =	sadd.s32 $0x27800, s4;
	s9 =	smul.u32 $0x28, s8  }
.Ltmp0:
0x12: {  	s11 =	smov.u32 s2;
	s1 =	rddreg [dreg:$0x1];
	(pc) =	sbr.rel .LBB2_1-.Ltmp0, $4  }
0x13: {  	_ =	strace $0x8000004D;
	p0 =	sne.s32 s7, s9;
	s9 =	simm.s32 $0x1  }
0x14: {  	[sflag:s6] =	ssyncpa.u1 $0x0;
	s7 =	simm.s32 $0x2;
	s9 =	simm.s32 @!p0 $0x0  }
0x15: {  	[sflag:s7] =	ssyncpa.u1 $0x0;
	p0 =	por $0x0, $0x0;
	s8 =	sadd.s32 s8, s9  }
0x16: {  	vm0 =	vmmov $0xff;
	vm1 =	vcmask $0x3F20;
	s9 =	sadd.s32 $0x200, s4;
	[sflag:s10] =	ssyncpa.u1 $0x0;
	s10 =	sadd.s32 $0x1, s8  }
.LBB2_6:
0x17: {  	[hbm:s17] =	stream.linear.scatter [tilespmem:s14], [sflag:$0x3], $0x400, $0x38;
	[tilespmem:$0x2850] =	vst v63  }
.LBB2_7:
0x18: {  	s13 =	sadd.s32 $0x28, s11  }
0x19: {  	s15 =	smov.u32 s2;
	p2 =	slt.s32 s13, s3  }
0x1a: {  	s15 =	smov.u32 @p2 s13;
	p2 =	sne.s32 s12, s10  }
.Ltmp1:
0x1b: {  	p1 =	slt.u32 s12, $0x2;
	(pc) =	sbr.rel @!p2 .LBB2_8-.Ltmp1, $4  }
0x1c: {  	s14 =	simm.s32 @!p1 $0x3  }
0x1d: {  	s16 =	sadd.s32 $0x1, s12;
	_ =	swait.ge @!p1 [sflag:s14], $0x1400  }
0x1e: {  	p0 =	por !p0, !p0;
	s13 =	smov.u32 s11;
	[sflag:s14] =	ssyncset.done @!p1 $0x0  }
0x1f: {  	s12 =	smov.u32 s16;
	s11 =	smov.u32 s15;
	[sflag:s14] =	ssyncadd.s32 @!p1 $0xFFFFEC00  }
.LBB2_1:
0x20: {  	p1 =	sge.u32 s12, s8  }
0x21: {  	s14 =	sxor.u32 @!p1 $0xFFFFFFFF, s12  }
0x22: {  	s14 =	sand.u32 @!p1 $0x1, s14  }
0x23: {  	s14 =	smul.u32 @!p1 $0xA0, s14  }
0x24: {  	s31 =	sadd.s32 $0xFFFFFFFF, s12;
	s15 =	sshrl.u32 @!p1 s11, $0x3  }
0x25: {  	s16 =	sand.u32 @!p1 $0x7, s11;
	s15 =	sadd.s32 @!p1 s4, s15;
	s14 =	sshrl.u32 @!p1 s14, $0x2  }
0x26: {  	[tilespmem:s14], [sflag:$0x2] =	stream.linear.gather @!p1 [hbm4b:s15+s16], $0x28, $0x38;
	[tilespmem:$0x2850] =	vst v63  }
0x27: {  	p1 =	sge.u32 s31, s8  }
.Ltmp2:
0x28: {  	_ = 	snop;
	(pc) =	sbr.rel @p1 .LBB2_7-.Ltmp2, $1  }
0x29: {  	_ =	sdelay $0x3  }
0x2a: {  	s15 =	sand.u32 $0x1, s12  }
0x2b: {  	s14 =	simm.s32 $0x1;
	s16 =	smul.u32 $0xA0, s15  }
0x2c: {  	s14 =	simm.s32 @!p0 $0x0;
	s15 =	smul.u32 $0x5000, s15  }
0x2d: {  	_ =	swait.ge [sflag:s7], $0x28;
	s14 =	smul.u32 $0x5000, s14  }
0x2e: {  	s18 =	simm.s32 $0x0;
	p1 =	por $0x1, $0x1;
	[sflag:s7] =	ssyncset.done $0x0  }
0x2f: {  	[sflag:s7] =	ssyncadd.s32 $0xFFFFFFD8;
	s15 =	sshrl.u32 s15, $0x2;
	s14 =	sshrl.u32 s14, $0x2  }
0x30: {  	s16 =	sshrl.u32 s16, $0x2;
	s17 =	sor.u32 $0x50, s15;
	s14 =	sor.u32 $0x50, s14  }
.LBB2_3:
0x31: {  	s19 =	sshll.u32 s18, $0x4  }
0x32: {  	s19 =	sand.u32 $0x3FFFFFF0, s19  }
0x33: {  	s19 =	sadd.s32 s19, s16  }
0x34: {  	v0 =	vld.msk [tilespmem:s19+$0x0 ss:$0x1], $0xffff;
	_ =	sdelay $0x4  }
0x35: {  	vm2 =	vgt.s32 v0, $0x0  }
0x36: {  	v0 =	vnsel vm2, $0x0, v0  }
0x37: {  	v0 =	vmin.u32 v0, $0x270F  }
0x38: {  	v0 =	vshll.u32 v0, $0x4;
	_ =	sdelay $0x1  }
0x39: {  	s31 =	sshll.u32 s18, $0xB  }
0x3a: {  	p2 =	por p1, p1;
	s18 =	sand.u32 $0x3FFFF800, s31  }
.Ltmp3:
0x3b: {  	s18 =	sadd.s32 s18, s17;
	(pc) =	sbr.rel @p2 .LBB2_3-.Ltmp3, $4  }
0x3c: {  	[tilespmem:s18], [sflag:$0x1] =	stream.indirect_vreg.gather [hbm:s5], $0x80, v0, vm0, $0x38;
	[tilespmem:$0x2850] =	vst v63  }
0x3d: {  	s18 =	sadd.s32 $0x400, s18  }
0x3e: {  	[tilespmem:s18], [sflag:$0x1] =	stream.indirect_vreg.gather [hbm:s5], $0x80, v0, vm1, $0x38;
	[tilespmem:$0x2850] =	vst v63  }
0x3f: {  	p1 =	por $0x0, $0x0;
	s18 =	simm.s32 $0x1  }
0x40: {  	v0 =	vld.msk [tilespmem:s16+$0x20 ss:$0x1], $0xff;
	_ =	sdelay $0x4  }
0x41: {  	vm2 =	vgt.s32 v0, $0x0  }
0x42: {  	v0 =	vnsel vm2, $0x0, v0  }
0x43: {  	v0 =	vmin.u32 v0, $0x270F  }
0x44: {  	v0 =	vshll.u32 v0, $0x4;
	_ =	sdelay $0x3  }
0x45: {  	s15 =	sadd.s32 $0x1050, s15  }
0x46: {  	[tilespmem:s15], [sflag:$0x1] =	stream.indirect_vreg.gather [hbm:s5], $0x80, v0, vm0, $0x38;
	[tilespmem:$0x2850] =	vst v63  }
0x47: {  	s13 =	sshll.u32 s13, $0x4;
	_ =	swait.ge [sflag:s6], $0x1400  }
0x48: {  	s16 =	sadd.s32 $0x400, s14;
	s13 =	sadd.s32 s13, s9;
	[sflag:s6] =	ssyncset.done $0x0  }
0x49: {  	s17 =	sadd.s32 $0x0, s13;
	s15 =	simm.s32 $0x80;
	[sflag:s6] =	ssyncadd.s32 $0xFFFFEC00  }
.LBB2_5:
0x4a: {  	[hbm:s17] =	stream.linear.scatter [tilespmem:s14], [sflag:$0x3], $0x400, $0x38;
	[tilespmem:$0x2850] =	vst v63  }
0x4b: {  	s17 =	smov.u32 s15;
	s14 =	smov.u32 s16;
	p1 =	sne.s32 s15, $0x200  }
.Ltmp4:
0x4c: {  	s15 =	sadd.s32 $0x80, s15;
	(pc) =	sbr.rel @p1 .LBB2_5-.Ltmp4, $2  }
0x4d: {  	_ =	sdelay $0x2  }
0x4e: {  	s16 =	sadd.s32 $0x400, s16;
	s17 =	sadd.s32 s17, s13  }
.Ltmp5:
0x4f: {  	_ = 	snop;
	(pc) =	sbr.rel .LBB2_6-.Ltmp5, $1  }
0x50: {  	_ =	sdelay $0x3  }
.LBB2_8:
0x51: {  	_ =	sfence.sel $0x180000  }
0x52: {  	s2 =	simm.s32 $0x2;
	[bflag:$0x0] =	sbarrier.arrive $0xFFFF  }
0x53: {  	s30 =	simm.s32 $0x3;
	[sflag:s2] =	ssyncpa.u1 $0x1  }
0x54: {  	s31 =	simm.s32 $0x1;
	[sflag:s30] =	ssyncpa.u1 $0x1  }
0x55: {  	[sflag:s31] =	ssyncpa.u1 $0x1  }
0x56: {  	p0 =	sne.s32 s0, $0x0;
	_ =	strace $0x9000004D  }
0x57: {  	s0 =	sadd.s32 @!p0 $0x100000, s1;
	[bflag:$0x2] =	sbarrier.arrive $0xFFFF  }
0x58: {  	[sflag:s0] =	ssyncadd.tile.s32 @!p0 $0x1;
	_ =	shalt  }
.Lfunc_end2:
_tile_overlayer_lowered:
.L_overlay_start_2:
0x59: {  	(tag) =	ssettag $0x2  }
0x5a: {  	s0 =	rddreg [dreg:$0x0];
	s2 =	stileid.u32  }
0x5b: {  	s1 =	rddreg [dreg:$0x1];
	p0 =	sne.s32 s2, $0x0  }
0x5c: {  	s3 =	rddreg [dreg:$0x2];
	[bflag:$0x3] =	sbarrier.arrive $0xFFFF;
	s2 =	simm.s32 @!p0 $0x1C01  }
0x5d: {  	[timem:s3], [sflag:s2] =	dma.local @!p0 [hbm:s0], s1  }
0x5e: {  	s0 =	simm.s32 @!p0 $0x1  }
0x5f: {  	_ =	swait.ge @!p0 [sflag:s0], s1  }
0x60: {  	s1 =	ssub.s32 @!p0 $0x0, s1;
	[sflag:s0] =	ssyncset.done @!p0 $0x0  }
0x61: {  	[sflag:s0] =	ssyncadd.s32 @!p0 s1  }
0x62: {  	[bflag:$0x3] =	sbarrier.arrive $0xFFFF  }
0x63: {  	_ =	shalt  }

// kernel: gather_offload_async_start
scs
__scs_entry_jumppad:
0x0: {  	(pc) =	sbr.rel $0x88, $3  }
0x1: {  	(tag) =	ssettag $0x0;
	lr =	simm.s32 $0x1  }
0x2: {  	[smem:$0x3F8E] =	sst lr;
	_ =	strace $0xD0000000  }
0x3: {  	_ = 	snop  }
0x4: {  	_ = 	snop  }
0x5: {  	_ = 	snop  }
0x6: {  	_ = 	snop  }
0x7: {  	_ = 	snop  }
__scs_overlays_trampoline_lowered:
0x8: {  	[smem:$0x3F9D] =	sst s0  }
0x9: {  	[smem:$0x3F9E] =	sst s1  }
0xa: {  	[smem:$0x3F9F] =	sst s2  }
0xb: {  	[smem:$0x3FA0] =	sst s3  }
0xc: {  	[smem:$0x3FA1] =	sst s4  }
0xd: {  	[smem:$0x3FA2] =	sst s5  }
0xe: {  	[smem:$0x3FA3] =	sst s6  }
0xf: {  	[smem:$0x3FA4] =	sst s7  }
0x10: {  	[smem:$0x3FA5] =	sst s8  }
0x11: {  	[smem:$0x3FA6] =	sst s9;
	s0 =	simm.s32 @!p0 $0x0  }
0x12: {  	s1 =	sld [smem:$0x3F8C];
	s0 =	simm.s32 @p0 $0x1  }
0x13: {  	[smem:$0x3FA7] =	sst s0;
	s0 =	simm.s32 @!p1 $0x0  }
0x14: {  	s2 =	sld [smem:$0x3F8B];
	s0 =	simm.s32 @p1 $0x1  }
0x15: {  	[smem:$0x3FA8] =	sst s0;
	s0 =	simm.s32 @!p2 $0x0  }
0x16: {  	s3 =	sld [smem:$0x3FDB];
	s0 =	simm.s32 @p2 $0x1  }
0x17: {  	s4 =	simm.s32 $0x1BF5;
	[smem:$0x3FAA] =	sst s0  }
0x18: {  	s0 =	sld [smem:$0x3F8D];
	_ =	swait.ge [sflag:s4], $0x0  }
0x19: {  	s7 =	sld [smem:$0x3F8E]  }
0x1a: {  	s8 =	sadd.s32 $0xFFFFE003, lr  }
0x1b: {  	s9 =	sadd.s32 $0xFFFFFEF7, lr;
	s5 =	simm.s32 $0xFFFFFFFF;
	p2 =	slt.u32 s8, $0xFFFFF086  }
0x1c: {  	p1 =	slt.u32 s9, $0xF7A;
	s5 =	simm.s32 @!p2 $0x0  }
0x1d: {  	s5 =	simm.s32 @p1 $0x1;
	p0 =	seq.s32 s7, s2  }
0x1e: {  	s7 =	smul.u32 @!p0 $0xF7A, s2;
	p2 =	seq.s32 @!p0 s5, $0x0  }
0x1f: {  	s9 =	smul.u32 $0xF7A, s1;
	s8 =	simm.s32 @!p0 $0x1BF5;
	p2 =	por !p2, p0  }
0x20: {  	[sflag:s8] =	ssyncset.s32 @!p0 $0xFFFFF086;
	s6 =	sadd.s32 @!p0 s3, s7;
	s7 =	simm.s32 @!p0 $0x108  }
0x21: {  	s3 =	sadd.s32 s3, s9;
	s6 =	sadd.s32 @!p0 $0x88, s6;
	s7 =	simm.s32 @p2 $0x1082  }
0x22: {  	[simem:s7], [sflag:s8] =	dma.local @!p0 [hbm:s6], $0xF7A  }
0x23: {  	s9 =	sor.u32 $0xD0000000, s2;
	s6 =	simm.s32 $0x108;
	_ =	swait.ge @!p0 [sflag:s8], $0x0  }
0x24: {  	s3 =	sadd.s32 $0x88, s3;
	s6 =	simm.s32 @!p1 $0x1082;
	[sflag:s4] =	ssyncset.s32 $0xFFFFF086  }
0x25: {  	[simem:s6], [sflag:s4] =	dma.local [hbm:s3], $0xF7A  }
0x26: {  	[smem:$0x3F8E] =	sst s1;
	(tag) =	ssettag s2;
	_ =	strace s9  }
0x27: {  	s1 =	sld [smem:$0x3F9E]  }
0x28: {  	s2 =	sld [smem:$0x3F9F]  }
0x29: {  	s4 =	sld [smem:$0x3FA1]  }
0x2a: {  	p0 =	seq.s32 s5, $0x0;
	s5 =	sld [smem:$0x3FA2]  }
0x2b: {  	s6 =	sld [smem:$0x3FA3]  }
0x2c: {  	s7 =	sld [smem:$0x3FA4]  }
0x2d: {  	s3 =	simm.s32 $0x108;
	s8 =	sld [smem:$0x3FA5]  }
0x2e: {  	s3 =	simm.s32 @!p0 $0x1082;
	s9 =	sld [smem:$0x3FA6]  }
0x2f: {  	lr =	sadd.s32 s0, s3;
	s0 =	sld [smem:$0x3F9D]  }
0x30: {  	s3 =	sld [smem:$0x3FA0]  }
0x31: {  	[smem:$0x3FA9] =	sst s10  }
0x32: {  	s10 =	sld [smem:$0x3FA7];
	_ =	sdelay $0x3  }
0x33: {  	p0 =	seq.s32 s10, $0x1;
	s10 =	sld [smem:$0x3FA9];
	_ =	sdelay $0x3  }
0x34: {  	[smem:$0x3FA9] =	sst s10  }
0x35: {  	s10 =	sld [smem:$0x3FA8];
	_ =	sdelay $0x3  }
0x36: {  	p1 =	seq.s32 s10, $0x1;
	s10 =	sld [smem:$0x3FA9];
	_ =	sdelay $0x3  }
0x37: {  	[smem:$0x3FA9] =	sst s10  }
0x38: {  	s10 =	sld [smem:$0x3FAA]  }
0x39: {  	_ = 	snop;
	(pc) =	sbr.ind lr, $3  }
0x3a: {  	_ = 	snop  }
0x3b: {  	_ = 	snop  }
0x3c: {  	p2 =	seq.s32 s10, $0x1;
	s10 =	sld [smem:$0x3FA9]  }
0x3d: {  	_ =	shalt  }
0x3e: {  	_ =	shalt  }
0x3f: {  	_ =	shalt  }
0x40: {  	_ =	shalt  }
0x41: {  	_ =	shalt  }
0x42: {  	_ =	shalt  }
0x43: {  	_ =	shalt  }
0x44: {  	_ =	shalt  }
0x45: {  	_ =	shalt  }
0x46: {  	_ =	shalt  }
0x47: {  	_ =	shalt  }
0x48: {  	_ =	shalt  }
0x49: {  	_ =	shalt  }
0x4a: {  	_ =	shalt  }
0x4b: {  	_ =	shalt  }
0x4c: {  	_ =	shalt  }
0x4d: {  	_ =	shalt  }
0x4e: {  	_ =	shalt  }
0x4f: {  	_ =	shalt  }
0x50: {  	_ =	shalt  }
0x51: {  	_ =	shalt  }
0x52: {  	_ =	shalt  }
0x53: {  	_ =	shalt  }
0x54: {  	_ =	shalt  }
0x55: {  	_ =	shalt  }
0x56: {  	_ =	shalt  }
0x57: {  	_ =	shalt  }
0x58: {  	_ =	shalt  }
0x59: {  	_ =	shalt  }
0x5a: {  	_ =	shalt  }
0x5b: {  	_ =	shalt  }
0x5c: {  	_ =	shalt  }
0x5d: {  	_ =	shalt  }
0x5e: {  	_ =	shalt  }
0x5f: {  	_ =	shalt  }
0x60: {  	_ =	shalt  }
0x61: {  	_ =	shalt  }
0x62: {  	_ =	shalt  }
0x63: {  	_ =	shalt  }
0x64: {  	_ =	shalt  }
0x65: {  	_ =	shalt  }
0x66: {  	_ =	shalt  }
0x67: {  	_ =	shalt  }
0x68: {  	_ =	shalt  }
0x69: {  	_ =	shalt  }
0x6a: {  	_ =	shalt  }
0x6b: {  	_ =	shalt  }
0x6c: {  	_ =	shalt  }
0x6d: {  	_ =	shalt  }
0x6e: {  	_ =	shalt  }
0x6f: {  	_ =	shalt  }
0x70: {  	_ =	shalt  }
0x71: {  	_ =	shalt  }
0x72: {  	_ =	shalt  }
0x73: {  	_ =	shalt  }
0x74: {  	_ =	shalt  }
0x75: {  	_ =	shalt  }
0x76: {  	_ =	shalt  }
0x77: {  	_ =	shalt  }
0x78: {  	_ =	shalt  }
0x79: {  	_ =	shalt  }
0x7a: {  	_ =	shalt  }
0x7b: {  	_ =	shalt  }
0x7c: {  	_ =	shalt  }
0x7d: {  	_ =	shalt  }
0x7e: {  	_ =	shalt  }
0x7f: {  	_ =	shalt  }
0x80: {  	_ =	shalt  }
0x81: {  	_ =	shalt  }
0x82: {  	_ =	shalt  }
0x83: {  	_ =	shalt  }
0x84: {  	_ =	shalt  }
0x85: {  	_ =	shalt  }
0x86: {  	_ =	shalt  }
0x87: {  	_ =	shalt  }
.Lfunc_end0:
.L_simem_size_0:
called_computation.1_lowered:
.L_overlay_start_0:
0x88: {  	s0 =	sld [smem:$0x3FD9]  }
0x89: {  	s1 =	sld [smem:$0x3FFE];
	_ =	sdelay $0x3  }
0x8a: {  	s0 =	sadd.s32 s1, s0  }
0x8b: {  	[smem:$0x3FB5] =	sst s0  }
0x8c: {  	_ = 	snop  }
0x8d: {  	(tm) =	ssettm $0x1  }
0x8e: {  	s15 =	sld [smem:$0x3FFB];
	_ =	sdelay $0x3  }
0x8f: {  	_ =	strace s15  }
0x90: {  	s0 =	sld [smem:$0x3FFC];
	_ =	sdelay $0x3  }
0x91: {  	_ =	strace s0  }
0x92: {  	s0 =	sld [smem:$0x3FFD];
	_ =	sdelay $0x3  }
0x93: {  	_ =	strace s0  }
0x94: {  	_ =	strace $0x8FFFFFFF  }
0x95: {  	s16 =	sld [smem:$0x3FDB];
	_ =	sdelay $0x1  }
0x96: {  	s17 =	simm.s32 $_scs_section_size  }
0x97: {  	s2 =	simm.s32 $_size__tile_overlayer_lowered;
	s3 =	simm.s32 $_tile_overlayer_lowered  }
0x98: {  	s20 =	simm.s32 $0x1BFF;
	s19 =	sshll.u32 s3, $0x1;
	s0 =	sadd.s32 s17, s16  }
0x99: {  	s4 =	simm.s32 $0x0;
	s18 =	sshll.u32 s2, $0x1;
	s2 =	sadd.s32 s19, s0  }
0x9a: {  	[timem:s4], [sflag:s20] =	dma.local [hbm:s2], s18  }
0x9b: {  	_ =	swait.ge [sflag:s20], s18  }
0x9c: {  	s1 =	ssub.s32 $0x0, s18;
	[sflag:s20] =	ssyncset.done $0x0  }
0x9d: {  	[sflag:s20] =	ssyncadd.s32 s1;
	_ =	sdelay $0x1  }
0x9e: {  	s21 =	simm.s32 $0x1B8B  }
0x9f: {  	_ =	swait.ge [sflag:s21], $0x1  }
0xa0: {  	[sflag:s21] =	ssyncset.done $0x0  }
0xa1: {  	s23 =	simm.s32 $0x1B8E;
	s22 =	sld [smem:$0x3FFE];
	[sflag:s21] =	ssyncadd.s32 $0xFFFFFFFF  }
0xa2: {  	s24 =	simm.s32 $execute0_lowered;
	[smem:$0x3FD2] =	sst s23  }
0xa3: {  	s2 =	sshll.u32 s24, $0x1;
	_ =	strace $0x80000049;
	[dreg:$0x1] =	wrdreg $0xFFFFFFFF  }
0xa4: {  	s25 =	simm.s32 $_size_execute0_lowered;
	s0 =	sadd.s32 s0, s2;
	[dreg:$0x0] =	wrdreg $0x0  }
0xa5: {  	s2 =	sshll.u32 s25, $0x1;
	[dreg:$0x2] =	wrdreg s0  }
0xa6: {  	[dreg:$0x3] =	wrdreg s2  }
0xa7: {  	[dreg:$0x4] =	wrdreg $0xC0  }
0xa8: {  	_ =	task [dreg:s4], $0x5FFFF  }
0xa9: {  	[dreg:$0x1] =	wrdreg $0xFFFFFFFF  }
0xaa: {  	[dreg:$0x0] =	wrdreg $0x60  }
0xab: {  	[dreg:$0x2] =	wrdreg s22  }
0xac: {  	[dreg:$0x3] =	wrdreg $0xA  }
0xad: {  	_ =	task.clear_ibuf [dreg:s4], $0x4FFFF;
	_ =	strace $0x90000049  }
0xae: {  	s26 =	simm.s32 $0xA;
	_ =	strace $0x8000004B  }
0xaf: {  	_ =	swait.ge [sflag:s26], $0x1  }
0xb0: {  	[sflag:s26] =	ssyncadd.s32 $0xFFFFFFFF  }
0xb1: {  	_ =	strace $0x9000004B  }
0xb2: {  	_ =	sfence  }
0xb3: {  	s28 =	sld [smem:$0x0];
	_ =	sdelay $0x1  }
0xb4: {  	s29 =	srdreg.scid  }
0xb5: {  	s30 =	sshll.u32 s29, $0xD;
	s31 =	sshrl.u32 s29, $0x2  }
0xb6: {  	s1 =	sand.u32 $0x1, s29;
	s2 =	sand.u32 $0x4000, s30;
	s0 =	sadd.s32 s31, s28  }
0xb7: {  	s1 =	sor.u32 s2, s1;
	s0 =	sshll.u32 s0, $0x11  }
0xb8: {  	s0 =	sor.u32 s0, s1  }
0xb9: {  	s0 =	sadd.s32 $0x8F2B, s0  }
0xba: {  	[sflag:s0] =	ssyncadd.remote.s32 $0x1  }
0xbb: {  	_ =	sfence.sel $0xFFFF  }
0xbc: {  	[dreg:$0x0] =	wrdreg $0xFFFFFFFF;
	(pc) =	sbr.abs _section_cstart, $3  }
0xbd: {  	[dreg:$0x1] =	wrdreg $0xFFFFFFFF  }
0xbe: {  	_ =	task.clear_ibuf [dreg:s4], $0x2FFFF;
	_ =	strace $0x9FFFFFFF  }
0xbf: {  	(tm) =	ssettm $0x7FFFFFFF  }
tec
execute0_lowered:
.L_overlay_start_1:
0x0: {  	(tag) =	ssettag $0x1  }
0x1: {  	s0 =	stileid.u32  }
0x2: {  	s1 =	smin.u32 s0, $0x9  }
0x3: {  	s1 =	sadd.s32 s0, s1  }
0x4: {  	s2 =	simm.s32 $0x320;
	p0 =	slt.u32 s0, $0x9;
	s1 =	smul.u32 $0x190, s1  }
0x5: {  	s2 =	simm.s32 @!p0 $0x190  }
0x6: {  	s2 =	sadd.s32 s2, s1  }
0x7: {  	s3 =	smin.u32 s2, $0x2710  }
0x8: {  	s7 =	ssub.s32 s3, s1  }
0x9: {  	p0 =	sgt.s32 s7, $0x0  }
0xa: {  	s7 =	simm.s32 @!p0 $0x0  }
0xb: {  	s31 =	sand.u32 $0xFFF0, s7  }
0xc: {  	s2 =	sshrl.u32 s31, $0x4  }
0xd: {  	s2 =	smul.u32 $0xA3E, s2  }
0xe: {  	s9 =	rddreg [dreg:$0x0];
	s6 =	simm.s32 $0x1;
	s11 =	simm.s32 $0x3  }
0xf: {  	s13 =	simm.s32 $0x0;
	s12 =	simm.s32 $0x0;
	s8 =	sshrl.u32 s2, $0x10  }
0x10: {  	s4 =	sadd.s32 $0x600, s9;
	s5 =	sadd.s32 $0x78600, s9;
	s10 =	smul.u32 $0x190, s8  }
.Ltmp0:
0x11: {  	s9 =	sadd.s32 $0x27800, s9;
	s2 =	rddreg [dreg:$0x1];
	(pc) =	sbr.rel .LBB2_1-.Ltmp0, $4  }
0x12: {  	_ =	strace $0x8000004A;
	p0 =	sne.s32 s7, s10;
	s10 =	simm.s32 $0x1  }
0x13: {  	[sflag:s6] =	ssyncpa.u1 $0x0;
	s7 =	simm.s32 $0x2;
	s10 =	simm.s32 @!p0 $0x0  }
0x14: {  	[sflag:s7] =	ssyncpa.u1 $0x0;
	p0 =	por $0x0, $0x0;
	s8 =	sadd.s32 s8, s10  }
0x15: {  	vm0 =	vmmov $0xff;
	vm1 =	vcmask $0x3F20;
	[sflag:s11] =	ssyncpa.u1 $0x0;
	s11 =	smov.u32 s1;
	s10 =	sadd.s32 $0x1, s8  }
.LBB2_6:
0x16: {  	[hbm:s17] =	stream.linear.scatter [tilespmem:s14], [sflag:$0x3], $0x400, $0x38;
	[tilespmem:$0x19320] =	vst v63  }
.LBB2_7:
0x17: {  	s13 =	sadd.s32 $0x190, s11  }
0x18: {  	s15 =	smov.u32 s1;
	p2 =	slt.s32 s13, s3  }
0x19: {  	s15 =	smov.u32 @p2 s13;
	p2 =	sne.s32 s12, s10  }
.Ltmp1:
0x1a: {  	p1 =	slt.u32 s12, $0x2;
	(pc) =	sbr.rel @!p2 .LBB2_8-.Ltmp1, $4  }
0x1b: {  	s14 =	simm.s32 @!p1 $0x3  }
0x1c: {  	s16 =	sadd.s32 $0x1, s12;
	_ =	swait.ge @!p1 [sflag:s14], $0xC800  }
0x1d: {  	p0 =	por !p0, !p0;
	s13 =	smov.u32 s11;
	[sflag:s14] =	ssyncset.done @!p1 $0x0  }
0x1e: {  	s12 =	smov.u32 s16;
	s11 =	smov.u32 s15;
	[sflag:s14] =	ssyncadd.s32 @!p1 $0xFFFF3800  }
.LBB2_1:
0x1f: {  	p1 =	sge.u32 s12, s8  }
0x20: {  	s14 =	sxor.u32 @!p1 $0xFFFFFFFF, s12  }
0x21: {  	s14 =	sand.u32 @!p1 $0x1, s14  }
0x22: {  	s14 =	smul.u32 @!p1 $0x640, s14  }
0x23: {  	s31 =	sadd.s32 $0xFFFFFFFF, s12;
	s15 =	sshrl.u32 @!p1 s11, $0x3  }
0x24: {  	s16 =	sand.u32 @!p1 $0x7, s11;
	s15 =	sadd.s32 @!p1 s5, s15;
	s14 =	sshrl.u32 @!p1 s14, $0x2  }
0x25: {  	[tilespmem:s14], [sflag:$0x2] =	stream.linear.gather @!p1 [hbm4b:s15+s16], $0x190, $0x38;
	[tilespmem:$0x19320] =	vst v63  }
0x26: {  	p1 =	sge.u32 s31, s8  }
.Ltmp2:
0x27: {  	_ = 	snop;
	(pc) =	sbr.rel @p1 .LBB2_7-.Ltmp2, $1  }
0x28: {  	_ =	sdelay $0x3  }
0x29: {  	s14 =	simm.s32 $0x1  }
0x2a: {  	s14 =	simm.s32 @!p0 $0x0  }
0x2b: {  	s15 =	smul.u32 $0x640, s14  }
0x2c: {  	_ =	swait.ge [sflag:s7], $0x190  }
0x2d: {  	[sflag:s7] =	ssyncset.done $0x0;
	s16 =	sshrl.u32 s15, $0x2  }
0x2e: {  	[sflag:s7] =	ssyncadd.s32 $0xFFFFFE70;
	s15 =	sadd.s32 $0x0, s16  }
0x2f: {  	v0 =	vld.msk [tilespmem:s15+$0x0 ss:$0x1], $0xffff;
	_ =	sdelay $0x4  }
0x30: {  	vm2 =	vgt.s32 v0, $0x0  }
0x31: {  	v0 =	vnsel vm2, $0x0, v0  }
0x32: {  	v0 =	vmin.u32 v0, $0x270F  }
0x33: {  	v0 =	vshll.u32 v0, $0x4  }
0x34: {  	s14 =	smul.u32 $0x32000, s14;
	_ =	sdelay $0x1  }
0x35: {  	s14 =	sshrl.u32 s14, $0x2  }
0x36: {  	s14 =	sor.u32 $0x320, s14  }
0x37: {  	[tilespmem:s14], [sflag:$0x1] =	stream.indirect_vreg.gather [hbm:s4], $0x80, v0, vm0, $0x38;
	[tilespmem:$0x19320] =	vst v63  }
0x38: {  	s17 =	sadd.s32 $0x10, s16;
	s15 =	sadd.s32 $0x400, s14  }
0x39: {  	[tilespmem:s15], [sflag:$0x1] =	stream.indirect_vreg.gather [hbm:s4], $0x80, v0, vm1, $0x38;
	[tilespmem:$0x19320] =	vst v63  }
0x3a: {  	s18 =	simm.s32 $0x80;
	v0 =	vld.msk [tilespmem:s17+$0x0 ss:$0x1], $0xffff;
	s17 =	smov.u32 s14  }
.LBB2_3:
0x3b: {  	p1 =	sne.s32 s18, $0x600;
	_ =	sdelay $0x4  }
0x3c: {  	vm2 =	vgt.s32 v0, $0x0  }
0x3d: {  	v0 =	vnsel vm2, $0x0, v0  }
0x3e: {  	v0 =	vmin.u32 v0, $0x270F  }
0x3f: {  	v0 =	vshll.u32 v0, $0x4;
	_ =	sdelay $0x3  }
.Ltmp3:
0x40: {  	s19 =	sshra.s32 s18, $0x2;
	s17 =	sadd.s32 $0x800, s17;
	(pc) =	sbr.rel @p1 .LBB2_3-.Ltmp3, $4  }
0x41: {  	[tilespmem:s17], [sflag:$0x1] =	stream.indirect_vreg.gather [hbm:s4], $0x80, v0, vm0, $0x38;
	[tilespmem:$0x19320] =	vst v63  }
0x42: {  	s19 =	sadd.s32 s19, s16;
	s20 =	sadd.s32 $0x400, s17  }
0x43: {  	[tilespmem:s20], [sflag:$0x1] =	stream.indirect_vreg.gather [hbm:s4], $0x80, v0, vm1, $0x38;
	[tilespmem:$0x19320] =	vst v63  }
0x44: {  	s18 =	sadd.s32 $0x40, s18;
	v0 =	vld.msk [tilespmem:s19+$0x0 ss:$0x1], $0xffff  }
0x45: {  	_ =	sdelay $0x3  }
0x46: {  	vm2 =	vgt.s32 v0, $0x0  }
0x47: {  	v0 =	vnsel vm2, $0x0, v0  }
0x48: {  	v0 =	vmin.u32 v0, $0x270F  }
0x49: {  	v0 =	vshll.u32 v0, $0x4;
	_ =	sdelay $0x3  }
0x4a: {  	s16 =	sadd.s32 $0x800, s17  }
0x4b: {  	[tilespmem:s16], [sflag:$0x1] =	stream.indirect_vreg.gather [hbm:s4], $0x80, v0, vm0, $0x38;
	[tilespmem:$0x19320] =	vst v63  }
0x4c: {  	s16 =	sadd.s32 $0x400, s16  }
0x4d: {  	[tilespmem:s16], [sflag:$0x1] =	stream.indirect_vreg.gather [hbm:s4], $0x80, v0, vm1, $0x38;
	[tilespmem:$0x19320] =	vst v63  }
0x4e: {  	s13 =	sshll.u32 s13, $0x4;
	_ =	swait.ge [sflag:s6], $0xC800  }
0x4f: {  	s13 =	sadd.s32 s13, s9;
	[sflag:s6] =	ssyncset.done $0x0  }
0x50: {  	s17 =	sadd.s32 $0x0, s13;
	s16 =	simm.s32 $0x80;
	[sflag:s6] =	ssyncadd.s32 $0xFFFF3800  }
.LBB2_5:
0x51: {  	[hbm:s17] =	stream.linear.scatter [tilespmem:s14], [sflag:$0x3], $0x400, $0x38;
	[tilespmem:$0x19320] =	vst v63  }
0x52: {  	s17 =	smov.u32 s16;
	s14 =	smov.u32 s15;
	p1 =	sne.s32 s16, $0x1880  }
.Ltmp4:
0x53: {  	s16 =	sadd.s32 $0x80, s16;
	(pc) =	sbr.rel @p1 .LBB2_5-.Ltmp4, $2  }
0x54: {  	_ =	sdelay $0x2  }
0x55: {  	s15 =	sadd.s32 $0x400, s15;
	s17 =	sadd.s32 s17, s13  }
.Ltmp5:
0x56: {  	_ = 	snop;
	(pc) =	sbr.rel .LBB2_6-.Ltmp5, $1  }
0x57: {  	_ =	sdelay $0x3  }
.LBB2_8:
0x58: {  	_ =	sfence.sel $0x180000  }
0x59: {  	s1 =	simm.s32 $0x2;
	[bflag:$0x0] =	sbarrier.arrive $0xFFFF  }
0x5a: {  	s30 =	simm.s32 $0x3;
	[sflag:s1] =	ssyncpa.u1 $0x1  }
0x5b: {  	s31 =	simm.s32 $0x1;
	[sflag:s30] =	ssyncpa.u1 $0x1  }
0x5c: {  	[sflag:s31] =	ssyncpa.u1 $0x1  }
0x5d: {  	p0 =	sne.s32 s0, $0x0;
	_ =	strace $0x9000004A  }
0x5e: {  	s0 =	sadd.s32 @!p0 $0x100000, s2;
	[bflag:$0x2] =	sbarrier.arrive $0xFFFF  }
0x5f: {  	[sflag:s0] =	ssyncadd.tile.s32 @!p0 $0x1;
	_ =	shalt  }
.Lfunc_end2:
_tile_overlayer_lowered:
.L_overlay_start_2:
0x60: {  	(tag) =	ssettag $0x2  }
0x61: {  	s0 =	rddreg [dreg:$0x0];
	s2 =	stileid.u32  }
0x62: {  	s1 =	rddreg [dreg:$0x1];
	p0 =	sne.s32 s2, $0x0  }
0x63: {  	s3 =	rddreg [dreg:$0x2];
	[bflag:$0x3] =	sbarrier.arrive $0xFFFF;
	s2 =	simm.s32 @!p0 $0x1C01  }
0x64: {  	[timem:s3], [sflag:s2] =	dma.local @!p0 [hbm:s0], s1  }
0x65: {  	s0 =	simm.s32 @!p0 $0x1  }
0x66: {  	_ =	swait.ge @!p0 [sflag:s0], s1  }
0x67: {  	s1 =	ssub.s32 @!p0 $0x0, s1;
	[sflag:s0] =	ssyncset.done @!p0 $0x0  }
0x68: {  	[sflag:s0] =	ssyncadd.s32 @!p0 s1  }
0x69: {  	[bflag:$0x3] =	sbarrier.arrive $0xFFFF  }
0x6a: {  	_ =	shalt  }

// kernel: scatter_offload_async_start
scs
__scs_entry_jumppad:
0x0: {  	(pc) =	sbr.rel $0x88, $3  }
0x1: {  	(tag) =	ssettag $0x0;
	lr =	simm.s32 $0x1  }
0x2: {  	[smem:$0x3F8E] =	sst lr;
	_ =	strace $0xD0000000  }
0x3: {  	_ = 	snop  }
0x4: {  	_ = 	snop  }
0x5: {  	_ = 	snop  }
0x6: {  	_ = 	snop  }
0x7: {  	_ = 	snop  }
__scs_overlays_trampoline_lowered:
0x8: {  	[smem:$0x3F9D] =	sst s0  }
0x9: {  	[smem:$0x3F9E] =	sst s1  }
0xa: {  	[smem:$0x3F9F] =	sst s2  }
0xb: {  	[smem:$0x3FA0] =	sst s3  }
0xc: {  	[smem:$0x3FA1] =	sst s4  }
0xd: {  	[smem:$0x3FA2] =	sst s5  }
0xe: {  	[smem:$0x3FA3] =	sst s6  }
0xf: {  	[smem:$0x3FA4] =	sst s7  }
0x10: {  	[smem:$0x3FA5] =	sst s8  }
0x11: {  	[smem:$0x3FA6] =	sst s9;
	s0 =	simm.s32 @!p0 $0x0  }
0x12: {  	s1 =	sld [smem:$0x3F8C];
	s0 =	simm.s32 @p0 $0x1  }
0x13: {  	[smem:$0x3FA7] =	sst s0;
	s0 =	simm.s32 @!p1 $0x0  }
0x14: {  	s2 =	sld [smem:$0x3F8B];
	s0 =	simm.s32 @p1 $0x1  }
0x15: {  	[smem:$0x3FA8] =	sst s0;
	s0 =	simm.s32 @!p2 $0x0  }
0x16: {  	s3 =	sld [smem:$0x3FDB];
	s0 =	simm.s32 @p2 $0x1  }
0x17: {  	s4 =	simm.s32 $0x1BF5;
	[smem:$0x3FAA] =	sst s0  }
0x18: {  	s0 =	sld [smem:$0x3F8D];
	_ =	swait.ge [sflag:s4], $0x0  }
0x19: {  	s7 =	sld [smem:$0x3F8E]  }
0x1a: {  	s8 =	sadd.s32 $0xFFFFE003, lr  }
0x1b: {  	s9 =	sadd.s32 $0xFFFFFEF7, lr;
	s5 =	simm.s32 $0xFFFFFFFF;
	p2 =	slt.u32 s8, $0xFFFFF086  }
0x1c: {  	p1 =	slt.u32 s9, $0xF7A;
	s5 =	simm.s32 @!p2 $0x0  }
0x1d: {  	s5 =	simm.s32 @p1 $0x1;
	p0 =	seq.s32 s7, s2  }
0x1e: {  	s7 =	smul.u32 @!p0 $0xF7A, s2;
	p2 =	seq.s32 @!p0 s5, $0x0  }
0x1f: {  	s9 =	smul.u32 $0xF7A, s1;
	s8 =	simm.s32 @!p0 $0x1BF5;
	p2 =	por !p2, p0  }
0x20: {  	[sflag:s8] =	ssyncset.s32 @!p0 $0xFFFFF086;
	s6 =	sadd.s32 @!p0 s3, s7;
	s7 =	simm.s32 @!p0 $0x108  }
0x21: {  	s3 =	sadd.s32 s3, s9;
	s6 =	sadd.s32 @!p0 $0x88, s6;
	s7 =	simm.s32 @p2 $0x1082  }
0x22: {  	[simem:s7], [sflag:s8] =	dma.local @!p0 [hbm:s6], $0xF7A  }
0x23: {  	s9 =	sor.u32 $0xD0000000, s2;
	s6 =	simm.s32 $0x108;
	_ =	swait.ge @!p0 [sflag:s8], $0x0  }
0x24: {  	s3 =	sadd.s32 $0x88, s3;
	s6 =	simm.s32 @!p1 $0x1082;
	[sflag:s4] =	ssyncset.s32 $0xFFFFF086  }
0x25: {  	[simem:s6], [sflag:s4] =	dma.local [hbm:s3], $0xF7A  }
0x26: {  	[smem:$0x3F8E] =	sst s1;
	(tag) =	ssettag s2;
	_ =	strace s9  }
0x27: {  	s1 =	sld [smem:$0x3F9E]  }
0x28: {  	s2 =	sld [smem:$0x3F9F]  }
0x29: {  	s4 =	sld [smem:$0x3FA1]  }
0x2a: {  	p0 =	seq.s32 s5, $0x0;
	s5 =	sld [smem:$0x3FA2]  }
0x2b: {  	s6 =	sld [smem:$0x3FA3]  }
0x2c: {  	s7 =	sld [smem:$0x3FA4]  }
0x2d: {  	s3 =	simm.s32 $0x108;
	s8 =	sld [smem:$0x3FA5]  }
0x2e: {  	s3 =	simm.s32 @!p0 $0x1082;
	s9 =	sld [smem:$0x3FA6]  }
0x2f: {  	lr =	sadd.s32 s0, s3;
	s0 =	sld [smem:$0x3F9D]  }
0x30: {  	s3 =	sld [smem:$0x3FA0]  }
0x31: {  	[smem:$0x3FA9] =	sst s10  }
0x32: {  	s10 =	sld [smem:$0x3FA7];
	_ =	sdelay $0x3  }
0x33: {  	p0 =	seq.s32 s10, $0x1;
	s10 =	sld [smem:$0x3FA9];
	_ =	sdelay $0x3  }
0x34: {  	[smem:$0x3FA9] =	sst s10  }
0x35: {  	s10 =	sld [smem:$0x3FA8];
	_ =	sdelay $0x3  }
0x36: {  	p1 =	seq.s32 s10, $0x1;
	s10 =	sld [smem:$0x3FA9];
	_ =	sdelay $0x3  }
0x37: {  	[smem:$0x3FA9] =	sst s10  }
0x38: {  	s10 =	sld [smem:$0x3FAA]  }
0x39: {  	_ = 	snop;
	(pc) =	sbr.ind lr, $3  }
0x3a: {  	_ = 	snop  }
0x3b: {  	_ = 	snop  }
0x3c: {  	p2 =	seq.s32 s10, $0x1;
	s10 =	sld [smem:$0x3FA9]  }
0x3d: {  	_ =	shalt  }
0x3e: {  	_ =	shalt  }
0x3f: {  	_ =	shalt  }
0x40: {  	_ =	shalt  }
0x41: {  	_ =	shalt  }
0x42: {  	_ =	shalt  }
0x43: {  	_ =	shalt  }
0x44: {  	_ =	shalt  }
0x45: {  	_ =	shalt  }
0x46: {  	_ =	shalt  }
0x47: {  	_ =	shalt  }
0x48: {  	_ =	shalt  }
0x49: {  	_ =	shalt  }
0x4a: {  	_ =	shalt  }
0x4b: {  	_ =	shalt  }
0x4c: {  	_ =	shalt  }
0x4d: {  	_ =	shalt  }
0x4e: {  	_ =	shalt  }
0x4f: {  	_ =	shalt  }
0x50: {  	_ =	shalt  }
0x51: {  	_ =	shalt  }
0x52: {  	_ =	shalt  }
0x53: {  	_ =	shalt  }
0x54: {  	_ =	shalt  }
0x55: {  	_ =	shalt  }
0x56: {  	_ =	shalt  }
0x57: {  	_ =	shalt  }
0x58: {  	_ =	shalt  }
0x59: {  	_ =	shalt  }
0x5a: {  	_ =	shalt  }
0x5b: {  	_ =	shalt  }
0x5c: {  	_ =	shalt  }
0x5d: {  	_ =	shalt  }
0x5e: {  	_ =	shalt  }
0x5f: {  	_ =	shalt  }
0x60: {  	_ =	shalt  }
0x61: {  	_ =	shalt  }
0x62: {  	_ =	shalt  }
0x63: {  	_ =	shalt  }
0x64: {  	_ =	shalt  }
0x65: {  	_ =	shalt  }
0x66: {  	_ =	shalt  }
0x67: {  	_ =	shalt  }
0x68: {  	_ =	shalt  }
0x69: {  	_ =	shalt  }
0x6a: {  	_ =	shalt  }
0x6b: {  	_ =	shalt  }
0x6c: {  	_ =	shalt  }
0x6d: {  	_ =	shalt  }
0x6e: {  	_ =	shalt  }
0x6f: {  	_ =	shalt  }
0x70: {  	_ =	shalt  }
0x71: {  	_ =	shalt  }
0x72: {  	_ =	shalt  }
0x73: {  	_ =	shalt  }
0x74: {  	_ =	shalt  }
0x75: {  	_ =	shalt  }
0x76: {  	_ =	shalt  }
0x77: {  	_ =	shalt  }
0x78: {  	_ =	shalt  }
0x79: {  	_ =	shalt  }
0x7a: {  	_ =	shalt  }
0x7b: {  	_ =	shalt  }
0x7c: {  	_ =	shalt  }
0x7d: {  	_ =	shalt  }
0x7e: {  	_ =	shalt  }
0x7f: {  	_ =	shalt  }
0x80: {  	_ =	shalt  }
0x81: {  	_ =	shalt  }
0x82: {  	_ =	shalt  }
0x83: {  	_ =	shalt  }
0x84: {  	_ =	shalt  }
0x85: {  	_ =	shalt  }
0x86: {  	_ =	shalt  }
0x87: {  	_ =	shalt  }
.Lfunc_end0:
.L_simem_size_0:
called_computation_lowered:
.L_overlay_start_0:
0x88: {  	s0 =	sld [smem:$0x3FD9]  }
0x89: {  	s1 =	sld [smem:$0x3FFE];
	_ =	sdelay $0x3  }
0x8a: {  	s0 =	sadd.s32 s1, s0  }
0x8b: {  	[smem:$0x3FB5] =	sst s0  }
0x8c: {  	_ = 	snop  }
0x8d: {  	s0 =	sld [smem:$0x3FD0];
	(tm) =	ssettm $0x1  }
0x8e: {  	s16 =	sld [smem:$0x3FFB];
	_ =	sdelay $0x3  }
0x8f: {  	_ =	strace s16  }
0x90: {  	s1 =	sld [smem:$0x3FFC];
	_ =	sdelay $0x3  }
0x91: {  	_ =	strace s1  }
0x92: {  	s1 =	sld [smem:$0x3FFD];
	_ =	sdelay $0x3  }
0x93: {  	_ =	strace s1  }
0x94: {  	_ =	strace $0x8FFFFFFF  }
0x95: {  	s17 =	sld [smem:$0x3FDB];
	_ =	sdelay $0x1  }
0x96: {  	s2 =	simm.s32 $_scs_section_size  }
0x97: {  	s3 =	simm.s32 $_size__tile_overlayer_lowered;
	s4 =	simm.s32 $_tile_overlayer_lowered  }
0x98: {  	s20 =	simm.s32 $0x1BFF;
	s19 =	sshll.u32 s4, $0x1;
	s1 =	sadd.s32 s2, s17  }
0x99: {  	s5 =	simm.s32 $0x0;
	s18 =	sshll.u32 s3, $0x1;
	s3 =	sadd.s32 s19, s1  }
0x9a: {  	[timem:s5], [sflag:s20] =	dma.local [hbm:s3], s18  }
0x9b: {  	_ =	swait.ge [sflag:s20], s18  }
0x9c: {  	s2 =	ssub.s32 $0x0, s18;
	[sflag:s20] =	ssyncset.done $0x0  }
0x9d: {  	[sflag:s20] =	ssyncadd.s32 s2;
	_ =	sdelay $0x1  }
0x9e: {  	s21 =	simm.s32 $0x1B8B  }
0x9f: {  	_ =	swait.ge [sflag:s21], $0x1  }
0xa0: {  	[sflag:s21] =	ssyncset.done $0x0  }
0xa1: {  	s23 =	simm.s32 $0x1B8E;
	s22 =	sld [smem:$0x3FFE];
	[sflag:s21] =	ssyncadd.s32 $0xFFFFFFFF  }
0xa2: {  	s24 =	simm.s32 $execute0_lowered;
	[smem:$0x3FD2] =	sst s23  }
0xa3: {  	s3 =	sshll.u32 s24, $0x1;
	_ =	strace $0x80000046;
	[dreg:$0x1] =	wrdreg $0xFFFFFFFF  }
0xa4: {  	s25 =	simm.s32 $_size_execute0_lowered;
	s1 =	sadd.s32 s1, s3;
	[dreg:$0x0] =	wrdreg $0x0  }
0xa5: {  	s3 =	sshll.u32 s25, $0x1;
	[dreg:$0x2] =	wrdreg s1  }
0xa6: {  	[dreg:$0x3] =	wrdreg s3  }
0xa7: {  	[dreg:$0x4] =	wrdreg $0xC0  }
0xa8: {  	_ =	task [dreg:s5], $0x5FFFF  }
0xa9: {  	[dreg:$0x1] =	wrdreg $0xFFFFFFFF  }
0xaa: {  	[dreg:$0x0] =	wrdreg $0x60  }
0xab: {  	[dreg:$0x2] =	wrdreg s0  }
0xac: {  	[dreg:$0x3] =	wrdreg s22  }
0xad: {  	[dreg:$0x4] =	wrdreg $0x9  }
0xae: {  	_ =	task.clear_ibuf [dreg:s5], $0x5FFFF;
	_ =	strace $0x90000046  }
0xaf: {  	s26 =	simm.s32 $0x9;
	_ =	strace $0x80000048  }
0xb0: {  	_ =	swait.ge [sflag:s26], $0x1  }
0xb1: {  	[sflag:s26] =	ssyncadd.s32 $0xFFFFFFFF  }
0xb2: {  	_ =	strace $0x90000048  }
0xb3: {  	_ =	sfence  }
0xb4: {  	s28 =	sld [smem:$0x0];
	_ =	sdelay $0x1  }
0xb5: {  	s29 =	srdreg.scid  }
0xb6: {  	s30 =	sshll.u32 s29, $0xD;
	s31 =	sshrl.u32 s29, $0x2  }
0xb7: {  	s2 =	sand.u32 $0x4000, s30;
	s1 =	sand.u32 $0x1, s29;
	s0 =	sadd.s32 s31, s28  }
0xb8: {  	s1 =	sor.u32 s2, s1;
	s0 =	sshll.u32 s0, $0x11  }
0xb9: {  	s0 =	sor.u32 s0, s1  }
0xba: {  	s0 =	sadd.s32 $0x8F2B, s0  }
0xbb: {  	[sflag:s0] =	ssyncadd.remote.s32 $0x1  }
0xbc: {  	_ =	sfence.sel $0xFFFF  }
0xbd: {  	[dreg:$0x0] =	wrdreg $0xFFFFFFFF;
	(pc) =	sbr.abs _section_cstart, $3  }
0xbe: {  	[dreg:$0x1] =	wrdreg $0xFFFFFFFF  }
0xbf: {  	_ =	task.clear_ibuf [dreg:s5], $0x2FFFF;
	_ =	strace $0x9FFFFFFF  }
0xc0: {  	(tm) =	ssettm $0x7FFFFFFF  }
0xc1: {  	_ =	shalt  }
tec
execute0_lowered:
.L_overlay_start_1:
0x0: {  	(tag) =	ssettag $0x1  }
0x1: {  	s1 =	rddreg [dreg:$0x0]  }
0x2: {  	s2 =	rddreg [dreg:$0x1]  }
0x3: {  	s0 =	rddreg [dreg:$0x2]  }
0x4: {  	s4 =	stileid.u32;
	_ =	strace $0x80000047;
	s5 =	simm.s32 $0x3E  }
0x5: {  	p0 =	sne.s32 s4, $0x0;
	[sflag:s5] =	ssyncpa.u1 $0x0  }
0x6: {  	s30 =	smin.u32 s4, $0x9;
	s3 =	simm.s32 @!p0 $0x1C3E;
	s6 =	simm.s32 @!p0 $0x0  }
0x7: {  	[spmem:s6], [sflag:s3] =	dma.local @!p0 [hbm:s1], $0x10  }
0x8: {  	s3 =	sadd.s32 s4, s30  }
0x9: {  	p1 =	slt.u32 s4, $0x9;
	s4 =	simm.s32 $0x320;
	s3 =	smul.u32 $0x190, s3  }
0xa: {  	s4 =	simm.s32 @!p1 $0x190  }
0xb: {  	s4 =	sadd.s32 s4, s3  }
0xc: {  	s4 =	smin.u32 s4, $0x2710  }
0xd: {  	s7 =	ssub.s32 s4, s3  }
0xe: {  	p1 =	sgt.s32 s7, $0x0  }
0xf: {  	s7 =	simm.s32 @!p1 $0x0  }
0x10: {  	s8 =	sand.u32 $0xFFF0, s7  }
0x11: {  	s8 =	sshrl.u32 s8, $0x4  }
0x12: {  	s6 =	simm.s32 @!p0 $0x3E;
	s31 =	smul.u32 $0xA3E, s8  }
0x13: {  	_ =	swait.ge @!p0 [sflag:s6], $0x10  }
0x14: {  	[sflag:s6] =	ssyncset.done @!p0 $0x0;
	s8 =	sshrl.u32 s31, $0x10  }
0x15: {  	s11 =	simm.s32 $0x0;
	[sflag:s6] =	ssyncadd.s32 @!p0 $0xFFFFFFF0;
	s9 =	smul.u32 $0x190, s8  }
.Ltmp0:
0x16: {  	s6 =	simm.s32 $0x2;
	[bflag:$0x0] =	sbarrier.arrive $0xFFFF;
	(pc) =	sbr.rel .LBB2_1-.Ltmp0, $4  }
0x17: {  	s10 =	smov.u32 s3;
	[sflag:s5] =	ssyncpa.u1 $0x1;
	s5 =	simm.s32 $0x1  }
0x18: {  	[sflag:s5] =	ssyncpa.u1 $0x0;
	p1 =	sne.s32 s7, s9;
	s9 =	simm.s32 $0x1  }
0x19: {  	(ifvalue) =	ssetifvalue $0x80;
	[sflag:s6] =	ssyncpa.u1 $0x0;
	s9 =	simm.s32 @!p1 $0x0  }
0x1a: {  	vm0 =	vmmov $0xffff;
	s7 =	sadd.s32 $0x78C00, s2;
	s8 =	sadd.s32 s8, s9;
	s9 =	simm.s32 $0x0  }
.LBB2_5:
0x1b: {  	p2 =	sne.s32 s11, s8  }
.Ltmp1:
0x1c: {  	_ = 	snop;
	(pc) =	sbr.rel @!p2 .LBB2_6-.Ltmp1, $4  }
0x1d: {  	_ = 	snop  }
0x1e: {  	s12 =	sadd.s32 $0x190, s10  }
0x1f: {  	s10 =	smov.u32 s3;
	s13 =	sadd.s32 $0x1, s11;
	p1 =	slt.s32 s12, s4  }
0x20: {  	s11 =	smov.u32 s13;
	s10 =	smov.u32 @p1 s12  }
.LBB2_1:
0x21: {  	p1 =	sge.u32 s11, s8  }
0x22: {  	s12 =	sxor.u32 @!p1 $0xFFFFFFFF, s11  }
0x23: {  	s12 =	sand.u32 @!p1 $0x1, s12  }
0x24: {  	s12 =	smul.u32 @!p1 $0x190, s12  }
0x25: {  	s13 =	sshrl.u32 @!p1 s10, $0x3  }
0x26: {  	s16 =	sand.u32 @!p1 $0x7, s10;
	s14 =	sadd.s32 @!p1 s2, s13;
	s15 =	sor.u32 @!p1 $0x8, s12  }
0x27: {  	[tilespmem:s15], [sflag:$0x2] =	stream.linear.gather @!p1 [hbm4b:s14+s16], $0x190, $0x38;
	[tilespmem:$0x648] =	vst v63  }
0x28: {  	s13 =	sadd.s32 @!p1 s7, s13;
	s12 =	sadd.s32 @!p1 $0x328, s12  }
0x29: {  	[tilespmem:s12], [sflag:$0x2] =	stream.linear.gather @!p1 [hbm4b:s13+s16], $0x190, $0x38;
	[tilespmem:$0x648] =	vst v63  }
0x2a: {  	p1 =	seq.s32 s11, $0x0  }
.Ltmp2:
0x2b: {  	_ = 	snop;
	(pc) =	sbr.rel @p1 .LBB2_5-.Ltmp2, $1  }
0x2c: {  	_ =	sdelay $0x3  }
0x2d: {  	s12 =	sand.u32 $0x1, s11  }
0x2e: {  	_ =	swait.ge [sflag:s6], $0x320;
	p1 =	seq.s32 s12, $0x1;
	s12 =	simm.s32 $0x190  }
0x2f: {  	[sflag:s6] =	ssyncset.done $0x0;
	s12 =	simm.s32 @!p1 $0x0  }
0x30: {  	[sflag:s6] =	ssyncadd.s32 $0xFFFFFCE0;
	s14 =	sor.u32 $0x8, s12  }
0x31: {  	v0 =	vld.msk [tilespmem:s14+$0x0 ss:$0x1], $0xffff;
	_ =	sdelay $0x4  }
0x32: {  	v0 =	vmin.u32 v0, $0x80;
	_ =	sdelay $0x3  }
0x33: {  	s13 =	simm.s32 $0x0;
	s12 =	sadd.s32 $0x328, s12;
	s14 =	sadd.s32 $0x10, s14  }
0x34: {  	[spmem:s9] =	stream.indirect_vreg.scatter.add.s32 [tilespmem:s12], [sflag:$0x1], $0x1, v0, vm0, $0x4038;
	[tilespmem:$0x648] =	vst v63  }
.LBB2_3:
0x35: {  	v0 =	vld.msk [tilespmem:s14+$0x0 ss:$0x1], $0xffff;
	s13 =	sadd.s32 $0x10, s13  }
0x36: {  	p1 =	slt.u32 s13, $0x180;
	_ =	sdelay $0x4  }
0x37: {  	v0 =	vmin.u32 v0, $0x80  }
.Ltmp3:
0x38: {  	(pc) =	sbr.rel @p1 .LBB2_3-.Ltmp3, $3  }
0x39: {  	_ =	sdelay $0x1  }
0x3a: {  	s14 =	sadd.s32 $0x10, s14;
	s12 =	sadd.s32 $0x10, s12  }
0x3b: {  	[spmem:s9] =	stream.indirect_vreg.scatter.add.s32 [tilespmem:s12], [sflag:$0x1], $0x1, v0, vm0, $0x4038;
	[tilespmem:$0x648] =	vst v63  }
.Ltmp4:
0x3c: {  	(pc) =	sbr.rel .LBB2_5-.Ltmp4, $4  }
0x3d: {  	_ = 	snop  }
0x3e: {  	_ =	swait.ge [sflag:s5], $0x190  }
0x3f: {  	[sflag:s5] =	ssyncset.done $0x0  }
0x40: {  	[sflag:s5] =	ssyncadd.s32 $0xFFFFFE70  }
.LBB2_6:
0x41: {  	_ =	sfence.sel $0x180000  }
0x42: {  	s2 =	simm.s32 $0x2;
	[bflag:$0x0] =	sbarrier.arrive $0xFFFF  }
0x43: {  	s30 =	simm.s32 $0x1;
	[sflag:s2] =	ssyncpa.u1 $0x1  }
0x44: {  	[sflag:s30] =	ssyncpa.u1 $0x1  }
0x45: {  	_ =	sfence.stream.spmem  }
0x46: {  	s31 =	simm.s32 $0x3D;
	[bflag:$0x0] =	sbarrier.arrive $0xFFFF  }
0x47: {  	s2 =	simm.s32 @p0 $0x3D;
	[sflag:s31] =	ssyncpa.u1 $0x0  }
0x48: {  	[sflag:s2] =	ssyncpa.u1 @p0 $0x1  }
0x49: {  	[bflag:$0x0] =	sbarrier.arrive @p0 $0xFFFF  }
0x4a: {  	_ =	strace @p0 $0x90000047  }
0x4b: {  	s3 =	simm.s32 @!p0 $0x1C3D;
	s2 =	simm.s32 @!p0 $0x0;
	[bflag:$0x2] =	sbarrier.arrive @p0 $0xFFFF  }
0x4c: {  	[hbm:s1], [sflag:s3] =	dma.local @!p0 [spmem:s2], $0x10  }
0x4d: {  	s1 =	simm.s32 @!p0 $0x3D  }
0x4e: {  	_ =	swait.ge @!p0 [sflag:s1], $0x10  }
0x4f: {  	[sflag:s1] =	ssyncset.done @!p0 $0x0  }
0x50: {  	[sflag:s1] =	ssyncadd.s32 @!p0 $0xFFFFFFF0  }
0x51: {  	[sflag:s1] =	ssyncpa.u1 @!p0 $0x1  }
0x52: {  	[bflag:$0x0] =	sbarrier.arrive @!p0 $0xFFFF  }
0x53: {  	_ =	strace @!p0 $0x90000047  }
0x54: {  	s0 =	sadd.s32 @!p0 $0x100000, s0;
	[bflag:$0x2] =	sbarrier.arrive @!p0 $0xFFFF  }
0x55: {  	[sflag:s0] =	ssyncadd.tile.s32 @!p0 $0x1;
	_ =	shalt  }
.Lfunc_end2:
_tile_overlayer_lowered:
.L_overlay_start_2:
0x56: {  	(tag) =	ssettag $0x2  }
0x57: {  	s0 =	rddreg [dreg:$0x0];
	s2 =	stileid.u32  }
0x58: {  	s1 =	rddreg [dreg:$0x1];
	p0 =	sne.s32 s2, $0x0  }
0x59: {  	s3 =	rddreg [dreg:$0x2];
	[bflag:$0x3] =	sbarrier.arrive $0xFFFF;
	s2 =	simm.s32 @!p0 $0x1C01  }
0x5a: {  	[timem:s3], [sflag:s2] =	dma.local @!p0 [hbm:s0], s1  }
0x5b: {  	s0 =	simm.s32 @!p0 $0x1  }
0x5c: {  	_ =	swait.ge @!p0 [sflag:s0], s1  }
0x5d: {  	s1 =	ssub.s32 @!p0 $0x0, s1;
	[sflag:s0] =	ssyncset.done @!p0 $0x0  }
0x5e: {  	[sflag:s0] =	ssyncadd.s32 @!p0 s1  }
0x5f: {  	[bflag:$0x3] =	sbarrier.arrive $0xFFFF  }
0x60: {  	_ =	shalt  }

</sc_bundles>
